<compile_context>
chip_gen: v7x
topology: tpu7x:2x2x1
jax: 0.10.2.dev20260603
libtpu: 0.0.44.dev20260713+nightly
codegen_flags: <defaults>
</compile_context>

<pallas_src>
import functools

import jax
import jax.numpy as jnp
from jax import lax
from jax.experimental import pallas as pl
from jax.experimental.pallas import tpu as pltpu
from jax.experimental.pallas import tpu_sc as plsc

VOCAB = 4608
HIDDEN = 384
EPS = 1e-6

NC = 2
NS = 16
NW = NC * NS

TOKENS = 4 * 8192
B_PER_W = TOKENS // NW
CHUNK = 64
NCHUNK = B_PER_W // CHUNK
NBUF = 5
LAG = NBUF - 1


def _normalize_table_body(t_ref, w_ref, o_ref):
    x = t_ref[...]
    var = jnp.mean(x * x, axis=-1, keepdims=True)
    o_ref[...] = x * lax.rsqrt(var + EPS) * w_ref[...]


def _normalize_table(tok_embeddings, norm_weight):
    return pl.pallas_call(
        _normalize_table_body,
        out_shape=jax.ShapeDtypeStruct((VOCAB, HIDDEN), jnp.float32),
    )(tok_embeddings, norm_weight.reshape(1, HIDDEN))


_sc_mesh = plsc.VectorSubcoreMesh(core_axis_name="c", subcore_axis_name="s")


@functools.partial(
    pl.kernel,
    mesh=_sc_mesh,
    out_type=jax.ShapeDtypeStruct((TOKENS, HIDDEN), jnp.float32),
    scratch_types=(
        [pltpu.VMEM((NCHUNK, CHUNK), jnp.int32)]
        + [pltpu.VMEM((CHUNK, HIDDEN), jnp.float32) for _ in range(NBUF)]
        + [pltpu.SemaphoreType.DMA for _ in range(2 * NBUF)]
    ),
)
def _sc_gather(table_hbm, idx_hbm, out_hbm, idx_v, *bufs):
    rows = bufs[:NBUF]
    gsem = bufs[NBUF:2 * NBUF]
    wsem = bufs[2 * NBUF:]
    wid = lax.axis_index("s") * NC + lax.axis_index("c")
    base = wid * B_PER_W
    pltpu.sync_copy(idx_hbm.at[pl.ds(wid * NCHUNK, NCHUNK)], idx_v)

    gathers = [None] * NBUF
    writes = [None] * NBUF
    for k in range(NCHUNK + LAG):
        if k < NCHUNK:
            b = k % NBUF
            if writes[b] is not None:
                writes[b].wait()
            gathers[b] = pltpu.async_copy(
                table_hbm.at[idx_v.at[k]],
                rows[b], gsem[b])
        j = k - LAG
        if j >= 0:
            bj = j % NBUF
            gathers[bj].wait()
            writes[bj] = pltpu.async_copy(
                rows[bj], out_hbm.at[pl.ds(base + j * CHUNK, CHUNK)], wsem[bj])
    for b in range(NBUF):
        if writes[b] is not None:
            writes[b].wait()


def kernel(input_ids, tok_embeddings, norm_weight):
    batch, seq = input_ids.shape
    table = _normalize_table(tok_embeddings, norm_weight)
    out = _sc_gather(table, input_ids.reshape(NW * NCHUNK, CHUNK))
    return out.reshape(batch, seq, HIDDEN)

# --- scband reference (transcript-rebuilt; emitter-appended) ---
"""Pipeline reference for scband-prok-bert-embeddings-18073222381875 (READ-ONLY COPY).

The authoritative reference and input builder live on the scoring server;
editing this copy changes nothing except your own understanding.
"""

import jax, jax.numpy as jnp
import numpy as np

VOCAB = 4608
HIDDEN = 384
BATCH = 4
SEQ = 8192
EPS = 1e-6


def setup_inputs(seed: int = 0) -> dict:
    key = jax.random.key(seed)
    k1, k2 = jax.random.split(key, 2)
    input_ids = jax.random.randint(k1, (BATCH, SEQ), 0, VOCAB, dtype=jnp.int32)
    tok_embeddings = jax.random.normal(k2, (VOCAB, HIDDEN), dtype=jnp.float32) * 0.02
    # padding_idx = pad_token_id = 0: row zeroed as in nn.Embedding(padding_idx=0)
    tok_embeddings = tok_embeddings.at[0].set(0.0)
    norm_weight = jnp.ones((HIDDEN,), dtype=jnp.float32)
    return {"input_ids": input_ids, "tok_embeddings": tok_embeddings, "norm_weight": norm_weight}


def _rms_norm(x, weight, eps=EPS):
    var = jnp.mean(jnp.square(x.astype(jnp.float32)), axis=-1, keepdims=True)
    x = x * jax.lax.rsqrt(var + eps)
    return (x * weight).astype(jnp.float32)


def reference(input_ids, tok_embeddings, norm_weight):
    # ProkBertEmbeddings.forward: embedding lookup -> RMSNorm -> dropout (eval: identity)
    hidden = jnp.take(tok_embeddings, input_ids, axis=0)
    hidden = _rms_norm(hidden, norm_weight)
    return hidden

if __name__ == "__main__":
    import jax
    _d = setup_inputs()
    print(jax.jit(kernel)(*tuple(_d.values())))

</pallas_src>

<mosaic_0001>
#map = affine_map<(d0, d1) -> (0, 0)>
module attributes {stable_mosaic.version = 14 : i64} {
  func.func @_sc_gather(%arg0: i32, %arg1: i32, %arg2: memref<4608x384xf32, #tpu.memory_space<hbm>>, %arg3: memref<512x64xi32, #tpu.memory_space<hbm>>, %arg4: memref<32768x384xf32, #tpu.memory_space<hbm>>, %arg5: memref<16x64xi32, #tpu.memory_space<vmem>>, %arg6: memref<64x384xf32, #tpu.memory_space<vmem>>, %arg7: memref<64x384xf32, #tpu.memory_space<vmem>>, %arg8: memref<64x384xf32, #tpu.memory_space<vmem>>, %arg9: memref<64x384xf32, #tpu.memory_space<vmem>>, %arg10: memref<64x384xf32, #tpu.memory_space<vmem>>, %arg11: memref<!tpu.dma_semaphore, #tpu.memory_space<semaphore_mem>>, %arg12: memref<!tpu.dma_semaphore, #tpu.memory_space<semaphore_mem>>, %arg13: memref<!tpu.dma_semaphore, #tpu.memory_space<semaphore_mem>>, %arg14: memref<!tpu.dma_semaphore, #tpu.memory_space<semaphore_mem>>, %arg15: memref<!tpu.dma_semaphore, #tpu.memory_space<semaphore_mem>>, %arg16: memref<!tpu.dma_semaphore, #tpu.memory_space<semaphore_mem>>, %arg17: memref<!tpu.dma_semaphore, #tpu.memory_space<semaphore_mem>>, %arg18: memref<!tpu.dma_semaphore, #tpu.memory_space<semaphore_mem>>, %arg19: memref<!tpu.dma_semaphore, #tpu.memory_space<semaphore_mem>>, %arg20: memref<!tpu.dma_semaphore, #tpu.memory_space<semaphore_mem>>) attributes {dimension_semantics = [#tpu.dimension_semantics<core_parallel>, #tpu.dimension_semantics<subcore_parallel>], iteration_bounds = array<i64: 2, 16>, scalar_prefetch = 0 : i64, scratch_operands = 16 : i64, tpu.core_type = #tpu.core_type<sc_vector_subcore>, window_params = [{transform_indices = #map}, {transform_indices = #map}, {transform_indices = #map}]} {
    %mul3A = arith.constant 2 : i32
    %mul3A_0 = arith.muli %arg1, %mul3A : i32
    %add3A = arith.addi %mul3A_0, %arg0 : i32
    %mul3A_1 = arith.constant 1024 : i32
    %mul3A_2 = arith.muli %add3A, %mul3A_1 : i32
    %mul3A_3 = arith.constant 16 : i32
    %mul3A_4 = arith.muli %add3A, %mul3A_3 : i32
    "tpu.region"() ({
      %run_scoped3A = tpu.sem_alloc : memref<!tpu.dma_semaphore, #tpu.memory_space<semaphore_mem>>
      %dma_start3A_387 = arith.constant 0 : i32
      %dma_start3A_388 = tpu.memref_slice %arg3[%mul3A_4, %dma_start3A_387] : memref<512x64xi32, #tpu.memory_space<hbm>> -> memref<16x64xi32, #tpu.memory_space<hbm>>
      %dma_start3A_389 = arith.constant 0 : i32
      %dma_start3A_390 = tpu.memref_slice %arg3[%mul3A_4, %dma_start3A_389] : memref<512x64xi32, #tpu.memory_space<hbm>> -> memref<16x64xi32, #tpu.memory_space<hbm>>
      tpu.enqueue_dma source(%dma_start3A_390 : memref<16x64xi32, #tpu.memory_space<hbm>>) target(%arg5 : memref<16x64xi32, #tpu.memory_space<vmem>>) target_semaphore(%run_scoped3A : memref<!tpu.dma_semaphore, #tpu.memory_space<semaphore_mem>>)
      %dma_wait3A_391 = arith.constant 0 : i32
      %dma_wait3A_392 = tpu.memref_slice %arg3[%mul3A_4, %dma_wait3A_391] : memref<512x64xi32, #tpu.memory_space<hbm>> -> memref<16x64xi32, #tpu.memory_space<hbm>>
      %dma_wait3A_393 = arith.constant 0 : i32
      %dma_wait3A_394 = tpu.memref_slice %arg3[%mul3A_4, %dma_wait3A_393] : memref<512x64xi32, #tpu.memory_space<hbm>> -> memref<16x64xi32, #tpu.memory_space<hbm>>
      tpu.wait_dma2 semaphore(%run_scoped3A : memref<!tpu.dma_semaphore, #tpu.memory_space<semaphore_mem>>) src(%dma_wait3A_394 : memref<16x64xi32, #tpu.memory_space<hbm>>) dst(%arg5 : memref<16x64xi32, #tpu.memory_space<vmem>>)
      tpu.yield
    }) : () -> ()
    %dma_start3A = arith.constant 0 : i32
    %dma_start3A_5 = arith.constant 0 : i32
    %dma_start3A_6 = tpu.memref_slice %arg5[%dma_start3A, %dma_start3A_5] : memref<16x64xi32, #tpu.memory_space<vmem>> -> memref<1x64xi32, #tpu.memory_space<vmem>>
    %dma_start3A_7 = tpu.memref_squeeze %dma_start3A_6 : memref<1x64xi32, #tpu.memory_space<vmem>> -> memref<64xi32, #tpu.memory_space<vmem>>
    %dma_start3A_8 = arith.constant 0 : i32
    %dma_start3A_9 = arith.constant 0 : i32
    %dma_start3A_10 = tpu.memref_slice %arg2[%dma_start3A_8, %dma_start3A_9] : memref<4608x384xf32, #tpu.memory_space<hbm>> -> memref<4608x384xf32, #tpu.memory_space<hbm>>
    tpu.enqueue_indirect_dma source(%dma_start3A_10 : memref<4608x384xf32, #tpu.memory_space<hbm>>) target(%arg6 : memref<64x384xf32, #tpu.memory_space<vmem>>) offsets(%dma_start3A_7 : memref<64xi32, #tpu.memory_space<vmem>>) semaphore(%arg11 : memref<!tpu.dma_semaphore, #tpu.memory_space<semaphore_mem>>)
    %dma_start3A_11 = arith.constant 1 : i32
    %dma_start3A_12 = arith.constant 0 : i32
    %dma_start3A_13 = tpu.memref_slice %arg5[%dma_start3A_11, %dma_start3A_12] : memref<16x64xi32, #tpu.memory_space<vmem>> -> memref<1x64xi32, #tpu.memory_space<vmem>>
    %dma_start3A_14 = tpu.memref_squeeze %dma_start3A_13 : memref<1x64xi32, #tpu.memory_space<vmem>> -> memref<64xi32, #tpu.memory_space<vmem>>
    %dma_start3A_15 = arith.constant 0 : i32
    %dma_start3A_16 = arith.constant 0 : i32
    %dma_start3A_17 = tpu.memref_slice %arg2[%dma_start3A_15, %dma_start3A_16] : memref<4608x384xf32, #tpu.memory_space<hbm>> -> memref<4608x384xf32, #tpu.memory_space<hbm>>
    tpu.enqueue_indirect_dma source(%dma_start3A_17 : memref<4608x384xf32, #tpu.memory_space<hbm>>) target(%arg7 : memref<64x384xf32, #tpu.memory_space<vmem>>) offsets(%dma_start3A_14 : memref<64xi32, #tpu.memory_space<vmem>>) semaphore(%arg12 : memref<!tpu.dma_semaphore, #tpu.memory_space<semaphore_mem>>)
    %dma_start3A_18 = arith.constant 2 : i32
    %dma_start3A_19 = arith.constant 0 : i32
    %dma_start3A_20 = tpu.memref_slice %arg5[%dma_start3A_18, %dma_start3A_19] : memref<16x64xi32, #tpu.memory_space<vmem>> -> memref<1x64xi32, #tpu.memory_space<vmem>>
    %dma_start3A_21 = tpu.memref_squeeze %dma_start3A_20 : memref<1x64xi32, #tpu.memory_space<vmem>> -> memref<64xi32, #tpu.memory_space<vmem>>
    %dma_start3A_22 = arith.constant 0 : i32
    %dma_start3A_23 = arith.constant 0 : i32
    %dma_start3A_24 = tpu.memref_slice %arg2[%dma_start3A_22, %dma_start3A_23] : memref<4608x384xf32, #tpu.memory_space<hbm>> -> memref<4608x384xf32, #tpu.memory_space<hbm>>
    tpu.enqueue_indirect_dma source(%dma_start3A_24 : memref<4608x384xf32, #tpu.memory_space<hbm>>) target(%arg8 : memref<64x384xf32, #tpu.memory_space<vmem>>) offsets(%dma_start3A_21 : memref<64xi32, #tpu.memory_space<vmem>>) semaphore(%arg13 : memref<!tpu.dma_semaphore, #tpu.memory_space<semaphore_mem>>)
    %dma_start3A_25 = arith.constant 3 : i32
    %dma_start3A_26 = arith.constant 0 : i32
    %dma_start3A_27 = tpu.memref_slice %arg5[%dma_start3A_25, %dma_start3A_26] : memref<16x64xi32, #tpu.memory_space<vmem>> -> memref<1x64xi32, #tpu.memory_space<vmem>>
    %dma_start3A_28 = tpu.memref_squeeze %dma_start3A_27 : memref<1x64xi32, #tpu.memory_space<vmem>> -> memref<64xi32, #tpu.memory_space<vmem>>
    %dma_start3A_29 = arith.constant 0 : i32
    %dma_start3A_30 = arith.constant 0 : i32
    %dma_start3A_31 = tpu.memref_slice %arg2[%dma_start3A_29, %dma_start3A_30] : memref<4608x384xf32, #tpu.memory_space<hbm>> -> memref<4608x384xf32, #tpu.memory_space<hbm>>
    tpu.enqueue_indirect_dma source(%dma_start3A_31 : memref<4608x384xf32, #tpu.memory_space<hbm>>) target(%arg9 : memref<64x384xf32, #tpu.memory_space<vmem>>) offsets(%dma_start3A_28 : memref<64xi32, #tpu.memory_space<vmem>>) semaphore(%arg14 : memref<!tpu.dma_semaphore, #tpu.memory_space<semaphore_mem>>)
    %dma_start3A_32 = arith.constant 4 : i32
    %dma_start3A_33 = arith.constant 0 : i32
    %dma_start3A_34 = tpu.memref_slice %arg5[%dma_start3A_32, %dma_start3A_33] : memref<16x64xi32, #tpu.memory_space<vmem>> -> memref<1x64xi32, #tpu.memory_space<vmem>>
    %dma_start3A_35 = tpu.memref_squeeze %dma_start3A_34 : memref<1x64xi32, #tpu.memory_space<vmem>> -> memref<64xi32, #tpu.memory_space<vmem>>
    %dma_start3A_36 = arith.constant 0 : i32
    %dma_start3A_37 = arith.constant 0 : i32
    %dma_start3A_38 = tpu.memref_slice %arg2[%dma_start3A_36, %dma_start3A_37] : memref<4608x384xf32, #tpu.memory_space<hbm>> -> memref<4608x384xf32, #tpu.memory_space<hbm>>
    tpu.enqueue_indirect_dma source(%dma_start3A_38 : memref<4608x384xf32, #tpu.memory_space<hbm>>) target(%arg10 : memref<64x384xf32, #tpu.memory_space<vmem>>) offsets(%dma_start3A_35 : memref<64xi32, #tpu.memory_space<vmem>>) semaphore(%arg15 : memref<!tpu.dma_semaphore, #tpu.memory_space<semaphore_mem>>)
    %dma_wait3A = arith.constant 0 : i32
    %dma_wait3A_39 = arith.constant 0 : i32
    %dma_wait3A_40 = tpu.memref_slice %arg5[%dma_wait3A, %dma_wait3A_39] : memref<16x64xi32, #tpu.memory_space<vmem>> -> memref<1x64xi32, #tpu.memory_space<vmem>>
    %dma_wait3A_41 = tpu.memref_squeeze %dma_wait3A_40 : memref<1x64xi32, #tpu.memory_space<vmem>> -> memref<64xi32, #tpu.memory_space<vmem>>
    %dma_wait3A_42 = arith.constant 0 : i32
    %dma_wait3A_43 = arith.constant 0 : i32
    %dma_wait3A_44 = tpu.memref_slice %arg2[%dma_wait3A_42, %dma_wait3A_43] : memref<4608x384xf32, #tpu.memory_space<hbm>> -> memref<4608x384xf32, #tpu.memory_space<hbm>>
    tpu.wait_indirect_dma semaphore(%arg11 : memref<!tpu.dma_semaphore, #tpu.memory_space<semaphore_mem>>) src(%dma_wait3A_44 : memref<4608x384xf32, #tpu.memory_space<hbm>>) dst(%arg6 : memref<64x384xf32, #tpu.memory_space<vmem>>)
    %add3A_45 = arith.constant 0 : i32
    %add3A_46 = arith.addi %mul3A_2, %add3A_45 : i32
    %dma_start3A_47 = arith.constant 0 : i32
    %dma_start3A_48 = tpu.memref_slice %arg4[%add3A_46, %dma_start3A_47] : memref<32768x384xf32, #tpu.memory_space<hbm>> -> memref<64x384xf32, #tpu.memory_space<hbm>>
    %dma_start3A_49 = arith.constant 0 : i32
    %dma_start3A_50 = tpu.memref_slice %arg4[%add3A_46, %dma_start3A_49] : memref<32768x384xf32, #tpu.memory_space<hbm>> -> memref<64x384xf32, #tpu.memory_space<hbm>>
    tpu.enqueue_dma source(%arg6 : memref<64x384xf32, #tpu.memory_space<vmem>>) target(%dma_start3A_50 : memref<64x384xf32, #tpu.memory_space<hbm>>) target_semaphore(%arg16 : memref<!tpu.dma_semaphore, #tpu.memory_space<semaphore_mem>>)
    %dma_wait3A_51 = arith.constant 0 : i32
    %dma_wait3A_52 = tpu.memref_slice %arg4[%add3A_46, %dma_wait3A_51] : memref<32768x384xf32, #tpu.memory_space<hbm>> -> memref<64x384xf32, #tpu.memory_space<hbm>>
    %dma_wait3A_53 = arith.constant 0 : i32
    %dma_wait3A_54 = tpu.memref_slice %arg4[%add3A_46, %dma_wait3A_53] : memref<32768x384xf32, #tpu.memory_space<hbm>> -> memref<64x384xf32, #tpu.memory_space<hbm>>
    tpu.wait_dma2 semaphore(%arg16 : memref<!tpu.dma_semaphore, #tpu.memory_space<semaphore_mem>>) src(%arg6 : memref<64x384xf32, #tpu.memory_space<vmem>>) dst(%dma_wait3A_54 : memref<64x384xf32, #tpu.memory_space<hbm>>)
    %dma_start3A_55 = arith.constant 5 : i32
    %dma_start3A_56 = arith.constant 0 : i32
    %dma_start3A_57 = tpu.memref_slice %arg5[%dma_start3A_55, %dma_start3A_56] : memref<16x64xi32, #tpu.memory_space<vmem>> -> memref<1x64xi32, #tpu.memory_space<vmem>>
    %dma_start3A_58 = tpu.memref_squeeze %dma_start3A_57 : memref<1x64xi32, #tpu.memory_space<vmem>> -> memref<64xi32, #tpu.memory_space<vmem>>
    %dma_start3A_59 = arith.constant 0 : i32
    %dma_start3A_60 = arith.constant 0 : i32
    %dma_start3A_61 = tpu.memref_slice %arg2[%dma_start3A_59, %dma_start3A_60] : memref<4608x384xf32, #tpu.memory_space<hbm>> -> memref<4608x384xf32, #tpu.memory_space<hbm>>
    tpu.enqueue_indirect_dma source(%dma_start3A_61 : memref<4608x384xf32, #tpu.memory_space<hbm>>) target(%arg6 : memref<64x384xf32, #tpu.memory_space<vmem>>) offsets(%dma_start3A_58 : memref<64xi32, #tpu.memory_space<vmem>>) semaphore(%arg11 : memref<!tpu.dma_semaphore, #tpu.memory_space<semaphore_mem>>)
    %dma_wait3A_62 = arith.constant 1 : i32
    %dma_wait3A_63 = arith.constant 0 : i32
    %dma_wait3A_64 = tpu.memref_slice %arg5[%dma_wait3A_62, %dma_wait3A_63] : memref<16x64xi32, #tpu.memory_space<vmem>> -> memref<1x64xi32, #tpu.memory_space<vmem>>
    %dma_wait3A_65 = tpu.memref_squeeze %dma_wait3A_64 : memref<1x64xi32, #tpu.memory_space<vmem>> -> memref<64xi32, #tpu.memory_space<vmem>>
    %dma_wait3A_66 = arith.constant 0 : i32
    %dma_wait3A_67 = arith.constant 0 : i32
    %dma_wait3A_68 = tpu.memref_slice %arg2[%dma_wait3A_66, %dma_wait3A_67] : memref<4608x384xf32, #tpu.memory_space<hbm>> -> memref<4608x384xf32, #tpu.memory_space<hbm>>
    tpu.wait_indirect_dma semaphore(%arg12 : memref<!tpu.dma_semaphore, #tpu.memory_space<semaphore_mem>>) src(%dma_wait3A_68 : memref<4608x384xf32, #tpu.memory_space<hbm>>) dst(%arg7 : memref<64x384xf32, #tpu.memory_space<vmem>>)
    %add3A_69 = arith.constant 64 : i32
    %add3A_70 = arith.addi %mul3A_2, %add3A_69 : i32
    %dma_start3A_71 = arith.constant 0 : i32
    %dma_start3A_72 = tpu.memref_slice %arg4[%add3A_70, %dma_start3A_71] : memref<32768x384xf32, #tpu.memory_space<hbm>> -> memref<64x384xf32, #tpu.memory_space<hbm>>
    %dma_start3A_73 = arith.constant 0 : i32
    %dma_start3A_74 = tpu.memref_slice %arg4[%add3A_70, %dma_start3A_73] : memref<32768x384xf32, #tpu.memory_space<hbm>> -> memref<64x384xf32, #tpu.memory_space<hbm>>
    tpu.enqueue_dma source(%arg7 : memref<64x384xf32, #tpu.memory_space<vmem>>) target(%dma_start3A_74 : memref<64x384xf32, #tpu.memory_space<hbm>>) target_semaphore(%arg17 : memref<!tpu.dma_semaphore, #tpu.memory_space<semaphore_mem>>)
    %dma_wait3A_75 = arith.constant 0 : i32
    %dma_wait3A_76 = tpu.memref_slice %arg4[%add3A_70, %dma_wait3A_75] : memref<32768x384xf32, #tpu.memory_space<hbm>> -> memref<64x384xf32, #tpu.memory_space<hbm>>
    %dma_wait3A_77 = arith.constant 0 : i32
    %dma_wait3A_78 = tpu.memref_slice %arg4[%add3A_70, %dma_wait3A_77] : memref<32768x384xf32, #tpu.memory_space<hbm>> -> memref<64x384xf32, #tpu.memory_space<hbm>>
    tpu.wait_dma2 semaphore(%arg17 : memref<!tpu.dma_semaphore, #tpu.memory_space<semaphore_mem>>) src(%arg7 : memref<64x384xf32, #tpu.memory_space<vmem>>) dst(%dma_wait3A_78 : memref<64x384xf32, #tpu.memory_space<hbm>>)
    %dma_start3A_79 = arith.constant 6 : i32
    %dma_start3A_80 = arith.constant 0 : i32
    %dma_start3A_81 = tpu.memref_slice %arg5[%dma_start3A_79, %dma_start3A_80] : memref<16x64xi32, #tpu.memory_space<vmem>> -> memref<1x64xi32, #tpu.memory_space<vmem>>
    %dma_start3A_82 = tpu.memref_squeeze %dma_start3A_81 : memref<1x64xi32, #tpu.memory_space<vmem>> -> memref<64xi32, #tpu.memory_space<vmem>>
    %dma_start3A_83 = arith.constant 0 : i32
    %dma_start3A_84 = arith.constant 0 : i32
    %dma_start3A_85 = tpu.memref_slice %arg2[%dma_start3A_83, %dma_start3A_84] : memref<4608x384xf32, #tpu.memory_space<hbm>> -> memref<4608x384xf32, #tpu.memory_space<hbm>>
    tpu.enqueue_indirect_dma source(%dma_start3A_85 : memref<4608x384xf32, #tpu.memory_space<hbm>>) target(%arg7 : memref<64x384xf32, #tpu.memory_space<vmem>>) offsets(%dma_start3A_82 : memref<64xi32, #tpu.memory_space<vmem>>) semaphore(%arg12 : memref<!tpu.dma_semaphore, #tpu.memory_space<semaphore_mem>>)
    %dma_wait3A_86 = arith.constant 2 : i32
    %dma_wait3A_87 = arith.constant 0 : i32
    %dma_wait3A_88 = tpu.memref_slice %arg5[%dma_wait3A_86, %dma_wait3A_87] : memref<16x64xi32, #tpu.memory_space<vmem>> -> memref<1x64xi32, #tpu.memory_space<vmem>>
    %dma_wait3A_89 = tpu.memref_squeeze %dma_wait3A_88 : memref<1x64xi32, #tpu.memory_space<vmem>> -> memref<64xi32, #tpu.memory_space<vmem>>
    %dma_wait3A_90 = arith.constant 0 : i32
    %dma_wait3A_91 = arith.constant 0 : i32
    %dma_wait3A_92 = tpu.memref_slice %arg2[%dma_wait3A_90, %dma_wait3A_91] : memref<4608x384xf32, #tpu.memory_space<hbm>> -> memref<4608x384xf32, #tpu.memory_space<hbm>>
    tpu.wait_indirect_dma semaphore(%arg13 : memref<!tpu.dma_semaphore, #tpu.memory_space<semaphore_mem>>) src(%dma_wait3A_92 : memref<4608x384xf32, #tpu.memory_space<hbm>>) dst(%arg8 : memref<64x384xf32, #tpu.memory_space<vmem>>)
    %add3A_93 = arith.constant 128 : i32
    %add3A_94 = arith.addi %mul3A_2, %add3A_93 : i32
    %dma_start3A_95 = arith.constant 0 : i32
    %dma_start3A_96 = tpu.memref_slice %arg4[%add3A_94, %dma_start3A_95] : memref<32768x384xf32, #tpu.memory_space<hbm>> -> memref<64x384xf32, #tpu.memory_space<hbm>>
    %dma_start3A_97 = arith.constant 0 : i32
    %dma_start3A_98 = tpu.memref_slice %arg4[%add3A_94, %dma_start3A_97] : memref<32768x384xf32, #tpu.memory_space<hbm>> -> memref<64x384xf32, #tpu.memory_space<hbm>>
    tpu.enqueue_dma source(%arg8 : memref<64x384xf32, #tpu.memory_space<vmem>>) target(%dma_start3A_98 : memref<64x384xf32, #tpu.memory_space<hbm>>) target_semaphore(%arg18 : memref<!tpu.dma_semaphore, #tpu.memory_space<semaphore_mem>>)
    %dma_wait3A_99 = arith.constant 0 : i32
    %dma_wait3A_100 = tpu.memref_slice %arg4[%add3A_94, %dma_wait3A_99] : memref<32768x384xf32, #tpu.memory_space<hbm>> -> memref<64x384xf32, #tpu.memory_space<hbm>>
    %dma_wait3A_101 = arith.constant 0 : i32
    %dma_wait3A_102 = tpu.memref_slice %arg4[%add3A_94, %dma_wait3A_101] : memref<32768x384xf32, #tpu.memory_space<hbm>> -> memref<64x384xf32, #tpu.memory_space<hbm>>
    tpu.wait_dma2 semaphore(%arg18 : memref<!tpu.dma_semaphore, #tpu.memory_space<semaphore_mem>>) src(%arg8 : memref<64x384xf32, #tpu.memory_space<vmem>>) dst(%dma_wait3A_102 : memref<64x384xf32, #tpu.memory_space<hbm>>)
    %dma_start3A_103 = arith.constant 7 : i32
    %dma_start3A_104 = arith.constant 0 : i32
    %dma_start3A_105 = tpu.memref_slice %arg5[%dma_start3A_103, %dma_start3A_104] : memref<16x64xi32, #tpu.memory_space<vmem>> -> memref<1x64xi32, #tpu.memory_space<vmem>>
    %dma_start3A_106 = tpu.memref_squeeze %dma_start3A_105 : memref<1x64xi32, #tpu.memory_space<vmem>> -> memref<64xi32, #tpu.memory_space<vmem>>
    %dma_start3A_107 = arith.constant 0 : i32
    %dma_start3A_108 = arith.constant 0 : i32
    %dma_start3A_109 = tpu.memref_slice %arg2[%dma_start3A_107, %dma_start3A_108] : memref<4608x384xf32, #tpu.memory_space<hbm>> -> memref<4608x384xf32, #tpu.memory_space<hbm>>
    tpu.enqueue_indirect_dma source(%dma_start3A_109 : memref<4608x384xf32, #tpu.memory_space<hbm>>) target(%arg8 : memref<64x384xf32, #tpu.memory_space<vmem>>) offsets(%dma_start3A_106 : memref<64xi32, #tpu.memory_space<vmem>>) semaphore(%arg13 : memref<!tpu.dma_semaphore, #tpu.memory_space<semaphore_mem>>)
    %dma_wait3A_110 = arith.constant 3 : i32
    %dma_wait3A_111 = arith.constant 0 : i32
    %dma_wait3A_112 = tpu.memref_slice %arg5[%dma_wait3A_110, %dma_wait3A_111] : memref<16x64xi32, #tpu.memory_space<vmem>> -> memref<1x64xi32, #tpu.memory_space<vmem>>
    %dma_wait3A_113 = tpu.memref_squeeze %dma_wait3A_112 : memref<1x64xi32, #tpu.memory_space<vmem>> -> memref<64xi32, #tpu.memory_space<vmem>>
    %dma_wait3A_114 = arith.constant 0 : i32
    %dma_wait3A_115 = arith.constant 0 : i32
    %dma_wait3A_116 = tpu.memref_slice %arg2[%dma_wait3A_114, %dma_wait3A_115] : memref<4608x384xf32, #tpu.memory_space<hbm>> -> memref<4608x384xf32, #tpu.memory_space<hbm>>
    tpu.wait_indirect_dma semaphore(%arg14 : memref<!tpu.dma_semaphore, #tpu.memory_space<semaphore_mem>>) src(%dma_wait3A_116 : memref<4608x384xf32, #tpu.memory_space<hbm>>) dst(%arg9 : memref<64x384xf32, #tpu.memory_space<vmem>>)
    %add3A_117 = arith.constant 192 : i32
    %add3A_118 = arith.addi %mul3A_2, %add3A_117 : i32
    %dma_start3A_119 = arith.constant 0 : i32
    %dma_start3A_120 = tpu.memref_slice %arg4[%add3A_118, %dma_start3A_119] : memref<32768x384xf32, #tpu.memory_space<hbm>> -> memref<64x384xf32, #tpu.memory_space<hbm>>
    %dma_start3A_121 = arith.constant 0 : i32
    %dma_start3A_122 = tpu.memref_slice %arg4[%add3A_118, %dma_start3A_121] : memref<32768x384xf32, #tpu.memory_space<hbm>> -> memref<64x384xf32, #tpu.memory_space<hbm>>
    tpu.enqueue_dma source(%arg9 : memref<64x384xf32, #tpu.memory_space<vmem>>) target(%dma_start3A_122 : memref<64x384xf32, #tpu.memory_space<hbm>>) target_semaphore(%arg19 : memref<!tpu.dma_semaphore, #tpu.memory_space<semaphore_mem>>)
    %dma_wait3A_123 = arith.constant 0 : i32
    %dma_wait3A_124 = tpu.memref_slice %arg4[%add3A_118, %dma_wait3A_123] : memref<32768x384xf32, #tpu.memory_space<hbm>> -> memref<64x384xf32, #tpu.memory_space<hbm>>
    %dma_wait3A_125 = arith.constant 0 : i32
    %dma_wait3A_126 = tpu.memref_slice %arg4[%add3A_118, %dma_wait3A_125] : memref<32768x384xf32, #tpu.memory_space<hbm>> -> memref<64x384xf32, #tpu.memory_space<hbm>>
    tpu.wait_dma2 semaphore(%arg19 : memref<!tpu.dma_semaphore, #tpu.memory_space<semaphore_mem>>) src(%arg9 : memref<64x384xf32, #tpu.memory_space<vmem>>) dst(%dma_wait3A_126 : memref<64x384xf32, #tpu.memory_space<hbm>>)
    %dma_start3A_127 = arith.constant 8 : i32
    %dma_start3A_128 = arith.constant 0 : i32
    %dma_start3A_129 = tpu.memref_slice %arg5[%dma_start3A_127, %dma_start3A_128] : memref<16x64xi32, #tpu.memory_space<vmem>> -> memref<1x64xi32, #tpu.memory_space<vmem>>
    %dma_start3A_130 = tpu.memref_squeeze %dma_start3A_129 : memref<1x64xi32, #tpu.memory_space<vmem>> -> memref<64xi32, #tpu.memory_space<vmem>>
    %dma_start3A_131 = arith.constant 0 : i32
    %dma_start3A_132 = arith.constant 0 : i32
    %dma_start3A_133 = tpu.memref_slice %arg2[%dma_start3A_131, %dma_start3A_132] : memref<4608x384xf32, #tpu.memory_space<hbm>> -> memref<4608x384xf32, #tpu.memory_space<hbm>>
    tpu.enqueue_indirect_dma source(%dma_start3A_133 : memref<4608x384xf32, #tpu.memory_space<hbm>>) target(%arg9 : memref<64x384xf32, #tpu.memory_space<vmem>>) offsets(%dma_start3A_130 : memref<64xi32, #tpu.memory_space<vmem>>) semaphore(%arg14 : memref<!tpu.dma_semaphore, #tpu.memory_space<semaphore_mem>>)
    %dma_wait3A_134 = arith.constant 4 : i32
    %dma_wait3A_135 = arith.constant 0 : i32
    %dma_wait3A_136 = tpu.memref_slice %arg5[%dma_wait3A_134, %dma_wait3A_135] : memref<16x64xi32, #tpu.memory_space<vmem>> -> memref<1x64xi32, #tpu.memory_space<vmem>>
    %dma_wait3A_137 = tpu.memref_squeeze %dma_wait3A_136 : memref<1x64xi32, #tpu.memory_space<vmem>> -> memref<64xi32, #tpu.memory_space<vmem>>
    %dma_wait3A_138 = arith.constant 0 : i32
    %dma_wait3A_139 = arith.constant 0 : i32
    %dma_wait3A_140 = tpu.memref_slice %arg2[%dma_wait3A_138, %dma_wait3A_139] : memref<4608x384xf32, #tpu.memory_space<hbm>> -> memref<4608x384xf32, #tpu.memory_space<hbm>>
    tpu.wait_indirect_dma semaphore(%arg15 : memref<!tpu.dma_semaphore, #tpu.memory_space<semaphore_mem>>) src(%dma_wait3A_140 : memref<4608x384xf32, #tpu.memory_space<hbm>>) dst(%arg10 : memref<64x384xf32, #tpu.memory_space<vmem>>)
    %add3A_141 = arith.constant 256 : i32
    %add3A_142 = arith.addi %mul3A_2, %add3A_141 : i32
    %dma_start3A_143 = arith.constant 0 : i32
    %dma_start3A_144 = tpu.memref_slice %arg4[%add3A_142, %dma_start3A_143] : memref<32768x384xf32, #tpu.memory_space<hbm>> -> memref<64x384xf32, #tpu.memory_space<hbm>>
    %dma_start3A_145 = arith.constant 0 : i32
    %dma_start3A_146 = tpu.memref_slice %arg4[%add3A_142, %dma_start3A_145] : memref<32768x384xf32, #tpu.memory_space<hbm>> -> memref<64x384xf32, #tpu.memory_space<hbm>>
    tpu.enqueue_dma source(%arg10 : memref<64x384xf32, #tpu.memory_space<vmem>>) target(%dma_start3A_146 : memref<64x384xf32, #tpu.memory_space<hbm>>) target_semaphore(%arg20 : memref<!tpu.dma_semaphore, #tpu.memory_space<semaphore_mem>>)
    %dma_wait3A_147 = arith.constant 0 : i32
    %dma_wait3A_148 = tpu.memref_slice %arg4[%add3A_142, %dma_wait3A_147] : memref<32768x384xf32, #tpu.memory_space<hbm>> -> memref<64x384xf32, #tpu.memory_space<hbm>>
    %dma_wait3A_149 = arith.constant 0 : i32
    %dma_wait3A_150 = tpu.memref_slice %arg4[%add3A_142, %dma_wait3A_149] : memref<32768x384xf32, #tpu.memory_space<hbm>> -> memref<64x384xf32, #tpu.memory_space<hbm>>
    tpu.wait_dma2 semaphore(%arg20 : memref<!tpu.dma_semaphore, #tpu.memory_space<semaphore_mem>>) src(%arg10 : memref<64x384xf32, #tpu.memory_space<vmem>>) dst(%dma_wait3A_150 : memref<64x384xf32, #tpu.memory_space<hbm>>)
    %dma_start3A_151 = arith.constant 9 : i32
    %dma_start3A_152 = arith.constant 0 : i32
    %dma_start3A_153 = tpu.memref_slice %arg5[%dma_start3A_151, %dma_start3A_152] : memref<16x64xi32, #tpu.memory_space<vmem>> -> memref<1x64xi32, #tpu.memory_space<vmem>>
    %dma_start3A_154 = tpu.memref_squeeze %dma_start3A_153 : memref<1x64xi32, #tpu.memory_space<vmem>> -> memref<64xi32, #tpu.memory_space<vmem>>
    %dma_start3A_155 = arith.constant 0 : i32
    %dma_start3A_156 = arith.constant 0 : i32
    %dma_start3A_157 = tpu.memref_slice %arg2[%dma_start3A_155, %dma_start3A_156] : memref<4608x384xf32, #tpu.memory_space<hbm>> -> memref<4608x384xf32, #tpu.memory_space<hbm>>
    tpu.enqueue_indirect_dma source(%dma_start3A_157 : memref<4608x384xf32, #tpu.memory_space<hbm>>) target(%arg10 : memref<64x384xf32, #tpu.memory_space<vmem>>) offsets(%dma_start3A_154 : memref<64xi32, #tpu.memory_space<vmem>>) semaphore(%arg15 : memref<!tpu.dma_semaphore, #tpu.memory_space<semaphore_mem>>)
    %dma_wait3A_158 = arith.constant 5 : i32
    %dma_wait3A_159 = arith.constant 0 : i32
    %dma_wait3A_160 = tpu.memref_slice %arg5[%dma_wait3A_158, %dma_wait3A_159] : memref<16x64xi32, #tpu.memory_space<vmem>> -> memref<1x64xi32, #tpu.memory_space<vmem>>
    %dma_wait3A_161 = tpu.memref_squeeze %dma_wait3A_160 : memref<1x64xi32, #tpu.memory_space<vmem>> -> memref<64xi32, #tpu.memory_space<vmem>>
    %dma_wait3A_162 = arith.constant 0 : i32
    %dma_wait3A_163 = arith.constant 0 : i32
    %dma_wait3A_164 = tpu.memref_slice %arg2[%dma_wait3A_162, %dma_wait3A_163] : memref<4608x384xf32, #tpu.memory_space<hbm>> -> memref<4608x384xf32, #tpu.memory_space<hbm>>
    tpu.wait_indirect_dma semaphore(%arg11 : memref<!tpu.dma_semaphore, #tpu.memory_space<semaphore_mem>>) src(%dma_wait3A_164 : memref<4608x384xf32, #tpu.memory_space<hbm>>) dst(%arg6 : memref<64x384xf32, #tpu.memory_space<vmem>>)
    %add3A_165 = arith.constant 320 : i32
    %add3A_166 = arith.addi %mul3A_2, %add3A_165 : i32
    %dma_start3A_167 = arith.constant 0 : i32
    %dma_start3A_168 = tpu.memref_slice %arg4[%add3A_166, %dma_start3A_167] : memref<32768x384xf32, #tpu.memory_space<hbm>> -> memref<64x384xf32, #tpu.memory_space<hbm>>
    %dma_start3A_169 = arith.constant 0 : i32
    %dma_start3A_170 = tpu.memref_slice %arg4[%add3A_166, %dma_start3A_169] : memref<32768x384xf32, #tpu.memory_space<hbm>> -> memref<64x384xf32, #tpu.memory_space<hbm>>
    tpu.enqueue_dma source(%arg6 : memref<64x384xf32, #tpu.memory_space<vmem>>) target(%dma_start3A_170 : memref<64x384xf32, #tpu.memory_space<hbm>>) target_semaphore(%arg16 : memref<!tpu.dma_semaphore, #tpu.memory_space<semaphore_mem>>)
    %dma_wait3A_171 = arith.constant 0 : i32
    %dma_wait3A_172 = tpu.memref_slice %arg4[%add3A_166, %dma_wait3A_171] : memref<32768x384xf32, #tpu.memory_space<hbm>> -> memref<64x384xf32, #tpu.memory_space<hbm>>
    %dma_wait3A_173 = arith.constant 0 : i32
    %dma_wait3A_174 = tpu.memref_slice %arg4[%add3A_166, %dma_wait3A_173] : memref<32768x384xf32, #tpu.memory_space<hbm>> -> memref<64x384xf32, #tpu.memory_space<hbm>>
    tpu.wait_dma2 semaphore(%arg16 : memref<!tpu.dma_semaphore, #tpu.memory_space<semaphore_mem>>) src(%arg6 : memref<64x384xf32, #tpu.memory_space<vmem>>) dst(%dma_wait3A_174 : memref<64x384xf32, #tpu.memory_space<hbm>>)
    %dma_start3A_175 = arith.constant 10 : i32
    %dma_start3A_176 = arith.constant 0 : i32
    %dma_start3A_177 = tpu.memref_slice %arg5[%dma_start3A_175, %dma_start3A_176] : memref<16x64xi32, #tpu.memory_space<vmem>> -> memref<1x64xi32, #tpu.memory_space<vmem>>
    %dma_start3A_178 = tpu.memref_squeeze %dma_start3A_177 : memref<1x64xi32, #tpu.memory_space<vmem>> -> memref<64xi32, #tpu.memory_space<vmem>>
    %dma_start3A_179 = arith.constant 0 : i32
    %dma_start3A_180 = arith.constant 0 : i32
    %dma_start3A_181 = tpu.memref_slice %arg2[%dma_start3A_179, %dma_start3A_180] : memref<4608x384xf32, #tpu.memory_space<hbm>> -> memref<4608x384xf32, #tpu.memory_space<hbm>>
    tpu.enqueue_indirect_dma source(%dma_start3A_181 : memref<4608x384xf32, #tpu.memory_space<hbm>>) target(%arg6 : memref<64x384xf32, #tpu.memory_space<vmem>>) offsets(%dma_start3A_178 : memref<64xi32, #tpu.memory_space<vmem>>) semaphore(%arg11 : memref<!tpu.dma_semaphore, #tpu.memory_space<semaphore_mem>>)
    %dma_wait3A_182 = arith.constant 6 : i32
    %dma_wait3A_183 = arith.constant 0 : i32
    %dma_wait3A_184 = tpu.memref_slice %arg5[%dma_wait3A_182, %dma_wait3A_183] : memref<16x64xi32, #tpu.memory_space<vmem>> -> memref<1x64xi32, #tpu.memory_space<vmem>>
    %dma_wait3A_185 = tpu.memref_squeeze %dma_wait3A_184 : memref<1x64xi32, #tpu.memory_space<vmem>> -> memref<64xi32, #tpu.memory_space<vmem>>
    %dma_wait3A_186 = arith.constant 0 : i32
    %dma_wait3A_187 = arith.constant 0 : i32
    %dma_wait3A_188 = tpu.memref_slice %arg2[%dma_wait3A_186, %dma_wait3A_187] : memref<4608x384xf32, #tpu.memory_space<hbm>> -> memref<4608x384xf32, #tpu.memory_space<hbm>>
    tpu.wait_indirect_dma semaphore(%arg12 : memref<!tpu.dma_semaphore, #tpu.memory_space<semaphore_mem>>) src(%dma_wait3A_188 : memref<4608x384xf32, #tpu.memory_space<hbm>>) dst(%arg7 : memref<64x384xf32, #tpu.memory_space<vmem>>)
    %add3A_189 = arith.constant 384 : i32
    %add3A_190 = arith.addi %mul3A_2, %add3A_189 : i32
    %dma_start3A_191 = arith.constant 0 : i32
    %dma_start3A_192 = tpu.memref_slice %arg4[%add3A_190, %dma_start3A_191] : memref<32768x384xf32, #tpu.memory_space<hbm>> -> memref<64x384xf32, #tpu.memory_space<hbm>>
    %dma_start3A_193 = arith.constant 0 : i32
    %dma_start3A_194 = tpu.memref_slice %arg4[%add3A_190, %dma_start3A_193] : memref<32768x384xf32, #tpu.memory_space<hbm>> -> memref<64x384xf32, #tpu.memory_space<hbm>>
    tpu.enqueue_dma source(%arg7 : memref<64x384xf32, #tpu.memory_space<vmem>>) target(%dma_start3A_194 : memref<64x384xf32, #tpu.memory_space<hbm>>) target_semaphore(%arg17 : memref<!tpu.dma_semaphore, #tpu.memory_space<semaphore_mem>>)
    %dma_wait3A_195 = arith.constant 0 : i32
    %dma_wait3A_196 = tpu.memref_slice %arg4[%add3A_190, %dma_wait3A_195] : memref<32768x384xf32, #tpu.memory_space<hbm>> -> memref<64x384xf32, #tpu.memory_space<hbm>>
    %dma_wait3A_197 = arith.constant 0 : i32
    %dma_wait3A_198 = tpu.memref_slice %arg4[%add3A_190, %dma_wait3A_197] : memref<32768x384xf32, #tpu.memory_space<hbm>> -> memref<64x384xf32, #tpu.memory_space<hbm>>
    tpu.wait_dma2 semaphore(%arg17 : memref<!tpu.dma_semaphore, #tpu.memory_space<semaphore_mem>>) src(%arg7 : memref<64x384xf32, #tpu.memory_space<vmem>>) dst(%dma_wait3A_198 : memref<64x384xf32, #tpu.memory_space<hbm>>)
    %dma_start3A_199 = arith.constant 11 : i32
    %dma_start3A_200 = arith.constant 0 : i32
    %dma_start3A_201 = tpu.memref_slice %arg5[%dma_start3A_199, %dma_start3A_200] : memref<16x64xi32, #tpu.memory_space<vmem>> -> memref<1x64xi32, #tpu.memory_space<vmem>>
    %dma_start3A_202 = tpu.memref_squeeze %dma_start3A_201 : memref<1x64xi32, #tpu.memory_space<vmem>> -> memref<64xi32, #tpu.memory_space<vmem>>
    %dma_start3A_203 = arith.constant 0 : i32
    %dma_start3A_204 = arith.constant 0 : i32
    %dma_start3A_205 = tpu.memref_slice %arg2[%dma_start3A_203, %dma_start3A_204] : memref<4608x384xf32, #tpu.memory_space<hbm>> -> memref<4608x384xf32, #tpu.memory_space<hbm>>
    tpu.enqueue_indirect_dma source(%dma_start3A_205 : memref<4608x384xf32, #tpu.memory_space<hbm>>) target(%arg7 : memref<64x384xf32, #tpu.memory_space<vmem>>) offsets(%dma_start3A_202 : memref<64xi32, #tpu.memory_space<vmem>>) semaphore(%arg12 : memref<!tpu.dma_semaphore, #tpu.memory_space<semaphore_mem>>)
    %dma_wait3A_206 = arith.constant 7 : i32
    %dma_wait3A_207 = arith.constant 0 : i32
    %dma_wait3A_208 = tpu.memref_slice %arg5[%dma_wait3A_206, %dma_wait3A_207] : memref<16x64xi32, #tpu.memory_space<vmem>> -> memref<1x64xi32, #tpu.memory_space<vmem>>
    %dma_wait3A_209 = tpu.memref_squeeze %dma_wait3A_208 : memref<1x64xi32, #tpu.memory_space<vmem>> -> memref<64xi32, #tpu.memory_space<vmem>>
    %dma_wait3A_210 = arith.constant 0 : i32
    %dma_wait3A_211 = arith.constant 0 : i32
    %dma_wait3A_212 = tpu.memref_slice %arg2[%dma_wait3A_210, %dma_wait3A_211] : memref<4608x384xf32, #tpu.memory_space<hbm>> -> memref<4608x384xf32, #tpu.memory_space<hbm>>
    tpu.wait_indirect_dma semaphore(%arg13 : memref<!tpu.dma_semaphore, #tpu.memory_space<semaphore_mem>>) src(%dma_wait3A_212 : memref<4608x384xf32, #tpu.memory_space<hbm>>) dst(%arg8 : memref<64x384xf32, #tpu.memory_space<vmem>>)
    %add3A_213 = arith.constant 448 : i32
    %add3A_214 = arith.addi %mul3A_2, %add3A_213 : i32
    %dma_start3A_215 = arith.constant 0 : i32
    %dma_start3A_216 = tpu.memref_slice %arg4[%add3A_214, %dma_start3A_215] : memref<32768x384xf32, #tpu.memory_space<hbm>> -> memref<64x384xf32, #tpu.memory_space<hbm>>
    %dma_start3A_217 = arith.constant 0 : i32
    %dma_start3A_218 = tpu.memref_slice %arg4[%add3A_214, %dma_start3A_217] : memref<32768x384xf32, #tpu.memory_space<hbm>> -> memref<64x384xf32, #tpu.memory_space<hbm>>
    tpu.enqueue_dma source(%arg8 : memref<64x384xf32, #tpu.memory_space<vmem>>) target(%dma_start3A_218 : memref<64x384xf32, #tpu.memory_space<hbm>>) target_semaphore(%arg18 : memref<!tpu.dma_semaphore, #tpu.memory_space<semaphore_mem>>)
    %dma_wait3A_219 = arith.constant 0 : i32
    %dma_wait3A_220 = tpu.memref_slice %arg4[%add3A_214, %dma_wait3A_219] : memref<32768x384xf32, #tpu.memory_space<hbm>> -> memref<64x384xf32, #tpu.memory_space<hbm>>
    %dma_wait3A_221 = arith.constant 0 : i32
    %dma_wait3A_222 = tpu.memref_slice %arg4[%add3A_214, %dma_wait3A_221] : memref<32768x384xf32, #tpu.memory_space<hbm>> -> memref<64x384xf32, #tpu.memory_space<hbm>>
    tpu.wait_dma2 semaphore(%arg18 : memref<!tpu.dma_semaphore, #tpu.memory_space<semaphore_mem>>) src(%arg8 : memref<64x384xf32, #tpu.memory_space<vmem>>) dst(%dma_wait3A_222 : memref<64x384xf32, #tpu.memory_space<hbm>>)
    %dma_start3A_223 = arith.constant 12 : i32
    %dma_start3A_224 = arith.constant 0 : i32
    %dma_start3A_225 = tpu.memref_slice %arg5[%dma_start3A_223, %dma_start3A_224] : memref<16x64xi32, #tpu.memory_space<vmem>> -> memref<1x64xi32, #tpu.memory_space<vmem>>
    %dma_start3A_226 = tpu.memref_squeeze %dma_start3A_225 : memref<1x64xi32, #tpu.memory_space<vmem>> -> memref<64xi32, #tpu.memory_space<vmem>>
    %dma_start3A_227 = arith.constant 0 : i32
    %dma_start3A_228 = arith.constant 0 : i32
    %dma_start3A_229 = tpu.memref_slice %arg2[%dma_start3A_227, %dma_start3A_228] : memref<4608x384xf32, #tpu.memory_space<hbm>> -> memref<4608x384xf32, #tpu.memory_space<hbm>>
    tpu.enqueue_indirect_dma source(%dma_start3A_229 : memref<4608x384xf32, #tpu.memory_space<hbm>>) target(%arg8 : memref<64x384xf32, #tpu.memory_space<vmem>>) offsets(%dma_start3A_226 : memref<64xi32, #tpu.memory_space<vmem>>) semaphore(%arg13 : memref<!tpu.dma_semaphore, #tpu.memory_space<semaphore_mem>>)
    %dma_wait3A_230 = arith.constant 8 : i32
    %dma_wait3A_231 = arith.constant 0 : i32
    %dma_wait3A_232 = tpu.memref_slice %arg5[%dma_wait3A_230, %dma_wait3A_231] : memref<16x64xi32, #tpu.memory_space<vmem>> -> memref<1x64xi32, #tpu.memory_space<vmem>>
    %dma_wait3A_233 = tpu.memref_squeeze %dma_wait3A_232 : memref<1x64xi32, #tpu.memory_space<vmem>> -> memref<64xi32, #tpu.memory_space<vmem>>
    %dma_wait3A_234 = arith.constant 0 : i32
    %dma_wait3A_235 = arith.constant 0 : i32
    %dma_wait3A_236 = tpu.memref_slice %arg2[%dma_wait3A_234, %dma_wait3A_235] : memref<4608x384xf32, #tpu.memory_space<hbm>> -> memref<4608x384xf32, #tpu.memory_space<hbm>>
    tpu.wait_indirect_dma semaphore(%arg14 : memref<!tpu.dma_semaphore, #tpu.memory_space<semaphore_mem>>) src(%dma_wait3A_236 : memref<4608x384xf32, #tpu.memory_space<hbm>>) dst(%arg9 : memref<64x384xf32, #tpu.memory_space<vmem>>)
    %add3A_237 = arith.constant 512 : i32
    %add3A_238 = arith.addi %mul3A_2, %add3A_237 : i32
    %dma_start3A_239 = arith.constant 0 : i32
    %dma_start3A_240 = tpu.memref_slice %arg4[%add3A_238, %dma_start3A_239] : memref<32768x384xf32, #tpu.memory_space<hbm>> -> memref<64x384xf32, #tpu.memory_space<hbm>>
    %dma_start3A_241 = arith.constant 0 : i32
    %dma_start3A_242 = tpu.memref_slice %arg4[%add3A_238, %dma_start3A_241] : memref<32768x384xf32, #tpu.memory_space<hbm>> -> memref<64x384xf32, #tpu.memory_space<hbm>>
    tpu.enqueue_dma source(%arg9 : memref<64x384xf32, #tpu.memory_space<vmem>>) target(%dma_start3A_242 : memref<64x384xf32, #tpu.memory_space<hbm>>) target_semaphore(%arg19 : memref<!tpu.dma_semaphore, #tpu.memory_space<semaphore_mem>>)
    %dma_wait3A_243 = arith.constant 0 : i32
    %dma_wait3A_244 = tpu.memref_slice %arg4[%add3A_238, %dma_wait3A_243] : memref<32768x384xf32, #tpu.memory_space<hbm>> -> memref<64x384xf32, #tpu.memory_space<hbm>>
    %dma_wait3A_245 = arith.constant 0 : i32
    %dma_wait3A_246 = tpu.memref_slice %arg4[%add3A_238, %dma_wait3A_245] : memref<32768x384xf32, #tpu.memory_space<hbm>> -> memref<64x384xf32, #tpu.memory_space<hbm>>
    tpu.wait_dma2 semaphore(%arg19 : memref<!tpu.dma_semaphore, #tpu.memory_space<semaphore_mem>>) src(%arg9 : memref<64x384xf32, #tpu.memory_space<vmem>>) dst(%dma_wait3A_246 : memref<64x384xf32, #tpu.memory_space<hbm>>)
    %dma_start3A_247 = arith.constant 13 : i32
    %dma_start3A_248 = arith.constant 0 : i32
    %dma_start3A_249 = tpu.memref_slice %arg5[%dma_start3A_247, %dma_start3A_248] : memref<16x64xi32, #tpu.memory_space<vmem>> -> memref<1x64xi32, #tpu.memory_space<vmem>>
    %dma_start3A_250 = tpu.memref_squeeze %dma_start3A_249 : memref<1x64xi32, #tpu.memory_space<vmem>> -> memref<64xi32, #tpu.memory_space<vmem>>
    %dma_start3A_251 = arith.constant 0 : i32
    %dma_start3A_252 = arith.constant 0 : i32
    %dma_start3A_253 = tpu.memref_slice %arg2[%dma_start3A_251, %dma_start3A_252] : memref<4608x384xf32, #tpu.memory_space<hbm>> -> memref<4608x384xf32, #tpu.memory_space<hbm>>
    tpu.enqueue_indirect_dma source(%dma_start3A_253 : memref<4608x384xf32, #tpu.memory_space<hbm>>) target(%arg9 : memref<64x384xf32, #tpu.memory_space<vmem>>) offsets(%dma_start3A_250 : memref<64xi32, #tpu.memory_space<vmem>>) semaphore(%arg14 : memref<!tpu.dma_semaphore, #tpu.memory_space<semaphore_mem>>)
    %dma_wait3A_254 = arith.constant 9 : i32
    %dma_wait3A_255 = arith.constant 0 : i32
    %dma_wait3A_256 = tpu.memref_slice %arg5[%dma_wait3A_254, %dma_wait3A_255] : memref<16x64xi32, #tpu.memory_space<vmem>> -> memref<1x64xi32, #tpu.memory_space<vmem>>
    %dma_wait3A_257 = tpu.memref_squeeze %dma_wait3A_256 : memref<1x64xi32, #tpu.memory_space<vmem>> -> memref<64xi32, #tpu.memory_space<vmem>>
    %dma_wait3A_258 = arith.constant 0 : i32
    %dma_wait3A_259 = arith.constant 0 : i32
    %dma_wait3A_260 = tpu.memref_slice %arg2[%dma_wait3A_258, %dma_wait3A_259] : memref<4608x384xf32, #tpu.memory_space<hbm>> -> memref<4608x384xf32, #tpu.memory_space<hbm>>
    tpu.wait_indirect_dma semaphore(%arg15 : memref<!tpu.dma_semaphore, #tpu.memory_space<semaphore_mem>>) src(%dma_wait3A_260 : memref<4608x384xf32, #tpu.memory_space<hbm>>) dst(%arg10 : memref<64x384xf32, #tpu.memory_space<vmem>>)
    %add3A_261 = arith.constant 576 : i32
    %add3A_262 = arith.addi %mul3A_2, %add3A_261 : i32
    %dma_start3A_263 = arith.constant 0 : i32
    %dma_start3A_264 = tpu.memref_slice %arg4[%add3A_262, %dma_start3A_263] : memref<32768x384xf32, #tpu.memory_space<hbm>> -> memref<64x384xf32, #tpu.memory_space<hbm>>
    %dma_start3A_265 = arith.constant 0 : i32
    %dma_start3A_266 = tpu.memref_slice %arg4[%add3A_262, %dma_start3A_265] : memref<32768x384xf32, #tpu.memory_space<hbm>> -> memref<64x384xf32, #tpu.memory_space<hbm>>
    tpu.enqueue_dma source(%arg10 : memref<64x384xf32, #tpu.memory_space<vmem>>) target(%dma_start3A_266 : memref<64x384xf32, #tpu.memory_space<hbm>>) target_semaphore(%arg20 : memref<!tpu.dma_semaphore, #tpu.memory_space<semaphore_mem>>)
    %dma_wait3A_267 = arith.constant 0 : i32
    %dma_wait3A_268 = tpu.memref_slice %arg4[%add3A_262, %dma_wait3A_267] : memref<32768x384xf32, #tpu.memory_space<hbm>> -> memref<64x384xf32, #tpu.memory_space<hbm>>
    %dma_wait3A_269 = arith.constant 0 : i32
    %dma_wait3A_270 = tpu.memref_slice %arg4[%add3A_262, %dma_wait3A_269] : memref<32768x384xf32, #tpu.memory_space<hbm>> -> memref<64x384xf32, #tpu.memory_space<hbm>>
    tpu.wait_dma2 semaphore(%arg20 : memref<!tpu.dma_semaphore, #tpu.memory_space<semaphore_mem>>) src(%arg10 : memref<64x384xf32, #tpu.memory_space<vmem>>) dst(%dma_wait3A_270 : memref<64x384xf32, #tpu.memory_space<hbm>>)
    %dma_start3A_271 = arith.constant 14 : i32
    %dma_start3A_272 = arith.constant 0 : i32
    %dma_start3A_273 = tpu.memref_slice %arg5[%dma_start3A_271, %dma_start3A_272] : memref<16x64xi32, #tpu.memory_space<vmem>> -> memref<1x64xi32, #tpu.memory_space<vmem>>
    %dma_start3A_274 = tpu.memref_squeeze %dma_start3A_273 : memref<1x64xi32, #tpu.memory_space<vmem>> -> memref<64xi32, #tpu.memory_space<vmem>>
    %dma_start3A_275 = arith.constant 0 : i32
    %dma_start3A_276 = arith.constant 0 : i32
    %dma_start3A_277 = tpu.memref_slice %arg2[%dma_start3A_275, %dma_start3A_276] : memref<4608x384xf32, #tpu.memory_space<hbm>> -> memref<4608x384xf32, #tpu.memory_space<hbm>>
    tpu.enqueue_indirect_dma source(%dma_start3A_277 : memref<4608x384xf32, #tpu.memory_space<hbm>>) target(%arg10 : memref<64x384xf32, #tpu.memory_space<vmem>>) offsets(%dma_start3A_274 : memref<64xi32, #tpu.memory_space<vmem>>) semaphore(%arg15 : memref<!tpu.dma_semaphore, #tpu.memory_space<semaphore_mem>>)
    %dma_wait3A_278 = arith.constant 10 : i32
    %dma_wait3A_279 = arith.constant 0 : i32
    %dma_wait3A_280 = tpu.memref_slice %arg5[%dma_wait3A_278, %dma_wait3A_279] : memref<16x64xi32, #tpu.memory_space<vmem>> -> memref<1x64xi32, #tpu.memory_space<vmem>>
    %dma_wait3A_281 = tpu.memref_squeeze %dma_wait3A_280 : memref<1x64xi32, #tpu.memory_space<vmem>> -> memref<64xi32, #tpu.memory_space<vmem>>
    %dma_wait3A_282 = arith.constant 0 : i32
    %dma_wait3A_283 = arith.constant 0 : i32
    %dma_wait3A_284 = tpu.memref_slice %arg2[%dma_wait3A_282, %dma_wait3A_283] : memref<4608x384xf32, #tpu.memory_space<hbm>> -> memref<4608x384xf32, #tpu.memory_space<hbm>>
    tpu.wait_indirect_dma semaphore(%arg11 : memref<!tpu.dma_semaphore, #tpu.memory_space<semaphore_mem>>) src(%dma_wait3A_284 : memref<4608x384xf32, #tpu.memory_space<hbm>>) dst(%arg6 : memref<64x384xf32, #tpu.memory_space<vmem>>)
    %add3A_285 = arith.constant 640 : i32
    %add3A_286 = arith.addi %mul3A_2, %add3A_285 : i32
    %dma_start3A_287 = arith.constant 0 : i32
    %dma_start3A_288 = tpu.memref_slice %arg4[%add3A_286, %dma_start3A_287] : memref<32768x384xf32, #tpu.memory_space<hbm>> -> memref<64x384xf32, #tpu.memory_space<hbm>>
    %dma_start3A_289 = arith.constant 0 : i32
    %dma_start3A_290 = tpu.memref_slice %arg4[%add3A_286, %dma_start3A_289] : memref<32768x384xf32, #tpu.memory_space<hbm>> -> memref<64x384xf32, #tpu.memory_space<hbm>>
    tpu.enqueue_dma source(%arg6 : memref<64x384xf32, #tpu.memory_space<vmem>>) target(%dma_start3A_290 : memref<64x384xf32, #tpu.memory_space<hbm>>) target_semaphore(%arg16 : memref<!tpu.dma_semaphore, #tpu.memory_space<semaphore_mem>>)
    %dma_wait3A_291 = arith.constant 0 : i32
    %dma_wait3A_292 = tpu.memref_slice %arg4[%add3A_286, %dma_wait3A_291] : memref<32768x384xf32, #tpu.memory_space<hbm>> -> memref<64x384xf32, #tpu.memory_space<hbm>>
    %dma_wait3A_293 = arith.constant 0 : i32
    %dma_wait3A_294 = tpu.memref_slice %arg4[%add3A_286, %dma_wait3A_293] : memref<32768x384xf32, #tpu.memory_space<hbm>> -> memref<64x384xf32, #tpu.memory_space<hbm>>
    tpu.wait_dma2 semaphore(%arg16 : memref<!tpu.dma_semaphore, #tpu.memory_space<semaphore_mem>>) src(%arg6 : memref<64x384xf32, #tpu.memory_space<vmem>>) dst(%dma_wait3A_294 : memref<64x384xf32, #tpu.memory_space<hbm>>)
    %dma_start3A_295 = arith.constant 15 : i32
    %dma_start3A_296 = arith.constant 0 : i32
    %dma_start3A_297 = tpu.memref_slice %arg5[%dma_start3A_295, %dma_start3A_296] : memref<16x64xi32, #tpu.memory_space<vmem>> -> memref<1x64xi32, #tpu.memory_space<vmem>>
    %dma_start3A_298 = tpu.memref_squeeze %dma_start3A_297 : memref<1x64xi32, #tpu.memory_space<vmem>> -> memref<64xi32, #tpu.memory_space<vmem>>
    %dma_start3A_299 = arith.constant 0 : i32
    %dma_start3A_300 = arith.constant 0 : i32
    %dma_start3A_301 = tpu.memref_slice %arg2[%dma_start3A_299, %dma_start3A_300] : memref<4608x384xf32, #tpu.memory_space<hbm>> -> memref<4608x384xf32, #tpu.memory_space<hbm>>
    tpu.enqueue_indirect_dma source(%dma_start3A_301 : memref<4608x384xf32, #tpu.memory_space<hbm>>) target(%arg6 : memref<64x384xf32, #tpu.memory_space<vmem>>) offsets(%dma_start3A_298 : memref<64xi32, #tpu.memory_space<vmem>>) semaphore(%arg11 : memref<!tpu.dma_semaphore, #tpu.memory_space<semaphore_mem>>)
    %dma_wait3A_302 = arith.constant 11 : i32
    %dma_wait3A_303 = arith.constant 0 : i32
    %dma_wait3A_304 = tpu.memref_slice %arg5[%dma_wait3A_302, %dma_wait3A_303] : memref<16x64xi32, #tpu.memory_space<vmem>> -> memref<1x64xi32, #tpu.memory_space<vmem>>
    %dma_wait3A_305 = tpu.memref_squeeze %dma_wait3A_304 : memref<1x64xi32, #tpu.memory_space<vmem>> -> memref<64xi32, #tpu.memory_space<vmem>>
    %dma_wait3A_306 = arith.constant 0 : i32
    %dma_wait3A_307 = arith.constant 0 : i32
    %dma_wait3A_308 = tpu.memref_slice %arg2[%dma_wait3A_306, %dma_wait3A_307] : memref<4608x384xf32, #tpu.memory_space<hbm>> -> memref<4608x384xf32, #tpu.memory_space<hbm>>
    tpu.wait_indirect_dma semaphore(%arg12 : memref<!tpu.dma_semaphore, #tpu.memory_space<semaphore_mem>>) src(%dma_wait3A_308 : memref<4608x384xf32, #tpu.memory_space<hbm>>) dst(%arg7 : memref<64x384xf32, #tpu.memory_space<vmem>>)
    %add3A_309 = arith.constant 704 : i32
    %add3A_310 = arith.addi %mul3A_2, %add3A_309 : i32
    %dma_start3A_311 = arith.constant 0 : i32
    %dma_start3A_312 = tpu.memref_slice %arg4[%add3A_310, %dma_start3A_311] : memref<32768x384xf32, #tpu.memory_space<hbm>> -> memref<64x384xf32, #tpu.memory_space<hbm>>
    %dma_start3A_313 = arith.constant 0 : i32
    %dma_start3A_314 = tpu.memref_slice %arg4[%add3A_310, %dma_start3A_313] : memref<32768x384xf32, #tpu.memory_space<hbm>> -> memref<64x384xf32, #tpu.memory_space<hbm>>
    tpu.enqueue_dma source(%arg7 : memref<64x384xf32, #tpu.memory_space<vmem>>) target(%dma_start3A_314 : memref<64x384xf32, #tpu.memory_space<hbm>>) target_semaphore(%arg17 : memref<!tpu.dma_semaphore, #tpu.memory_space<semaphore_mem>>)
    %dma_wait3A_315 = arith.constant 12 : i32
    %dma_wait3A_316 = arith.constant 0 : i32
    %dma_wait3A_317 = tpu.memref_slice %arg5[%dma_wait3A_315, %dma_wait3A_316] : memref<16x64xi32, #tpu.memory_space<vmem>> -> memref<1x64xi32, #tpu.memory_space<vmem>>
    %dma_wait3A_318 = tpu.memref_squeeze %dma_wait3A_317 : memref<1x64xi32, #tpu.memory_space<vmem>> -> memref<64xi32, #tpu.memory_space<vmem>>
    %dma_wait3A_319 = arith.constant 0 : i32
    %dma_wait3A_320 = arith.constant 0 : i32
    %dma_wait3A_321 = tpu.memref_slice %arg2[%dma_wait3A_319, %dma_wait3A_320] : memref<4608x384xf32, #tpu.memory_space<hbm>> -> memref<4608x384xf32, #tpu.memory_space<hbm>>
    tpu.wait_indirect_dma semaphore(%arg13 : memref<!tpu.dma_semaphore, #tpu.memory_space<semaphore_mem>>) src(%dma_wait3A_321 : memref<4608x384xf32, #tpu.memory_space<hbm>>) dst(%arg8 : memref<64x384xf32, #tpu.memory_space<vmem>>)
    %add3A_322 = arith.constant 768 : i32
    %add3A_323 = arith.addi %mul3A_2, %add3A_322 : i32
    %dma_start3A_324 = arith.constant 0 : i32
    %dma_start3A_325 = tpu.memref_slice %arg4[%add3A_323, %dma_start3A_324] : memref<32768x384xf32, #tpu.memory_space<hbm>> -> memref<64x384xf32, #tpu.memory_space<hbm>>
    %dma_start3A_326 = arith.constant 0 : i32
    %dma_start3A_327 = tpu.memref_slice %arg4[%add3A_323, %dma_start3A_326] : memref<32768x384xf32, #tpu.memory_space<hbm>> -> memref<64x384xf32, #tpu.memory_space<hbm>>
    tpu.enqueue_dma source(%arg8 : memref<64x384xf32, #tpu.memory_space<vmem>>) target(%dma_start3A_327 : memref<64x384xf32, #tpu.memory_space<hbm>>) target_semaphore(%arg18 : memref<!tpu.dma_semaphore, #tpu.memory_space<semaphore_mem>>)
    %dma_wait3A_328 = arith.constant 13 : i32
    %dma_wait3A_329 = arith.constant 0 : i32
    %dma_wait3A_330 = tpu.memref_slice %arg5[%dma_wait3A_328, %dma_wait3A_329] : memref<16x64xi32, #tpu.memory_space<vmem>> -> memref<1x64xi32, #tpu.memory_space<vmem>>
    %dma_wait3A_331 = tpu.memref_squeeze %dma_wait3A_330 : memref<1x64xi32, #tpu.memory_space<vmem>> -> memref<64xi32, #tpu.memory_space<vmem>>
    %dma_wait3A_332 = arith.constant 0 : i32
    %dma_wait3A_333 = arith.constant 0 : i32
    %dma_wait3A_334 = tpu.memref_slice %arg2[%dma_wait3A_332, %dma_wait3A_333] : memref<4608x384xf32, #tpu.memory_space<hbm>> -> memref<4608x384xf32, #tpu.memory_space<hbm>>
    tpu.wait_indirect_dma semaphore(%arg14 : memref<!tpu.dma_semaphore, #tpu.memory_space<semaphore_mem>>) src(%dma_wait3A_334 : memref<4608x384xf32, #tpu.memory_space<hbm>>) dst(%arg9 : memref<64x384xf32, #tpu.memory_space<vmem>>)
    %add3A_335 = arith.constant 832 : i32
    %add3A_336 = arith.addi %mul3A_2, %add3A_335 : i32
    %dma_start3A_337 = arith.constant 0 : i32
    %dma_start3A_338 = tpu.memref_slice %arg4[%add3A_336, %dma_start3A_337] : memref<32768x384xf32, #tpu.memory_space<hbm>> -> memref<64x384xf32, #tpu.memory_space<hbm>>
    %dma_start3A_339 = arith.constant 0 : i32
    %dma_start3A_340 = tpu.memref_slice %arg4[%add3A_336, %dma_start3A_339] : memref<32768x384xf32, #tpu.memory_space<hbm>> -> memref<64x384xf32, #tpu.memory_space<hbm>>
    tpu.enqueue_dma source(%arg9 : memref<64x384xf32, #tpu.memory_space<vmem>>) target(%dma_start3A_340 : memref<64x384xf32, #tpu.memory_space<hbm>>) target_semaphore(%arg19 : memref<!tpu.dma_semaphore, #tpu.memory_space<semaphore_mem>>)
    %dma_wait3A_341 = arith.constant 14 : i32
    %dma_wait3A_342 = arith.constant 0 : i32
    %dma_wait3A_343 = tpu.memref_slice %arg5[%dma_wait3A_341, %dma_wait3A_342] : memref<16x64xi32, #tpu.memory_space<vmem>> -> memref<1x64xi32, #tpu.memory_space<vmem>>
    %dma_wait3A_344 = tpu.memref_squeeze %dma_wait3A_343 : memref<1x64xi32, #tpu.memory_space<vmem>> -> memref<64xi32, #tpu.memory_space<vmem>>
    %dma_wait3A_345 = arith.constant 0 : i32
    %dma_wait3A_346 = arith.constant 0 : i32
    %dma_wait3A_347 = tpu.memref_slice %arg2[%dma_wait3A_345, %dma_wait3A_346] : memref<4608x384xf32, #tpu.memory_space<hbm>> -> memref<4608x384xf32, #tpu.memory_space<hbm>>
    tpu.wait_indirect_dma semaphore(%arg15 : memref<!tpu.dma_semaphore, #tpu.memory_space<semaphore_mem>>) src(%dma_wait3A_347 : memref<4608x384xf32, #tpu.memory_space<hbm>>) dst(%arg10 : memref<64x384xf32, #tpu.memory_space<vmem>>)
    %add3A_348 = arith.constant 896 : i32
    %add3A_349 = arith.addi %mul3A_2, %add3A_348 : i32
    %dma_start3A_350 = arith.constant 0 : i32
    %dma_start3A_351 = tpu.memref_slice %arg4[%add3A_349, %dma_start3A_350] : memref<32768x384xf32, #tpu.memory_space<hbm>> -> memref<64x384xf32, #tpu.memory_space<hbm>>
    %dma_start3A_352 = arith.constant 0 : i32
    %dma_start3A_353 = tpu.memref_slice %arg4[%add3A_349, %dma_start3A_352] : memref<32768x384xf32, #tpu.memory_space<hbm>> -> memref<64x384xf32, #tpu.memory_space<hbm>>
    tpu.enqueue_dma source(%arg10 : memref<64x384xf32, #tpu.memory_space<vmem>>) target(%dma_start3A_353 : memref<64x384xf32, #tpu.memory_space<hbm>>) target_semaphore(%arg20 : memref<!tpu.dma_semaphore, #tpu.memory_space<semaphore_mem>>)
    %dma_wait3A_354 = arith.constant 15 : i32
    %dma_wait3A_355 = arith.constant 0 : i32
    %dma_wait3A_356 = tpu.memref_slice %arg5[%dma_wait3A_354, %dma_wait3A_355] : memref<16x64xi32, #tpu.memory_space<vmem>> -> memref<1x64xi32, #tpu.memory_space<vmem>>
    %dma_wait3A_357 = tpu.memref_squeeze %dma_wait3A_356 : memref<1x64xi32, #tpu.memory_space<vmem>> -> memref<64xi32, #tpu.memory_space<vmem>>
    %dma_wait3A_358 = arith.constant 0 : i32
    %dma_wait3A_359 = arith.constant 0 : i32
    %dma_wait3A_360 = tpu.memref_slice %arg2[%dma_wait3A_358, %dma_wait3A_359] : memref<4608x384xf32, #tpu.memory_space<hbm>> -> memref<4608x384xf32, #tpu.memory_space<hbm>>
    tpu.wait_indirect_dma semaphore(%arg11 : memref<!tpu.dma_semaphore, #tpu.memory_space<semaphore_mem>>) src(%dma_wait3A_360 : memref<4608x384xf32, #tpu.memory_space<hbm>>) dst(%arg6 : memref<64x384xf32, #tpu.memory_space<vmem>>)
    %add3A_361 = arith.constant 960 : i32
    %add3A_362 = arith.addi %mul3A_2, %add3A_361 : i32
    %dma_start3A_363 = arith.constant 0 : i32
    %dma_start3A_364 = tpu.memref_slice %arg4[%add3A_362, %dma_start3A_363] : memref<32768x384xf32, #tpu.memory_space<hbm>> -> memref<64x384xf32, #tpu.memory_space<hbm>>
    %dma_start3A_365 = arith.constant 0 : i32
    %dma_start3A_366 = tpu.memref_slice %arg4[%add3A_362, %dma_start3A_365] : memref<32768x384xf32, #tpu.memory_space<hbm>> -> memref<64x384xf32, #tpu.memory_space<hbm>>
    tpu.enqueue_dma source(%arg6 : memref<64x384xf32, #tpu.memory_space<vmem>>) target(%dma_start3A_366 : memref<64x384xf32, #tpu.memory_space<hbm>>) target_semaphore(%arg16 : memref<!tpu.dma_semaphore, #tpu.memory_space<semaphore_mem>>)
    %dma_wait3A_367 = arith.constant 0 : i32
    %dma_wait3A_368 = tpu.memref_slice %arg4[%add3A_362, %dma_wait3A_367] : memref<32768x384xf32, #tpu.memory_space<hbm>> -> memref<64x384xf32, #tpu.memory_space<hbm>>
    %dma_wait3A_369 = arith.constant 0 : i32
    %dma_wait3A_370 = tpu.memref_slice %arg4[%add3A_362, %dma_wait3A_369] : memref<32768x384xf32, #tpu.memory_space<hbm>> -> memref<64x384xf32, #tpu.memory_space<hbm>>
    tpu.wait_dma2 semaphore(%arg16 : memref<!tpu.dma_semaphore, #tpu.memory_space<semaphore_mem>>) src(%arg6 : memref<64x384xf32, #tpu.memory_space<vmem>>) dst(%dma_wait3A_370 : memref<64x384xf32, #tpu.memory_space<hbm>>)
    %dma_wait3A_371 = arith.constant 0 : i32
    %dma_wait3A_372 = tpu.memref_slice %arg4[%add3A_310, %dma_wait3A_371] : memref<32768x384xf32, #tpu.memory_space<hbm>> -> memref<64x384xf32, #tpu.memory_space<hbm>>
    %dma_wait3A_373 = arith.constant 0 : i32
    %dma_wait3A_374 = tpu.memref_slice %arg4[%add3A_310, %dma_wait3A_373] : memref<32768x384xf32, #tpu.memory_space<hbm>> -> memref<64x384xf32, #tpu.memory_space<hbm>>
    tpu.wait_dma2 semaphore(%arg17 : memref<!tpu.dma_semaphore, #tpu.memory_space<semaphore_mem>>) src(%arg7 : memref<64x384xf32, #tpu.memory_space<vmem>>) dst(%dma_wait3A_374 : memref<64x384xf32, #tpu.memory_space<hbm>>)
    %dma_wait3A_375 = arith.constant 0 : i32
    %dma_wait3A_376 = tpu.memref_slice %arg4[%add3A_323, %dma_wait3A_375] : memref<32768x384xf32, #tpu.memory_space<hbm>> -> memref<64x384xf32, #tpu.memory_space<hbm>>
    %dma_wait3A_377 = arith.constant 0 : i32
    %dma_wait3A_378 = tpu.memref_slice %arg4[%add3A_323, %dma_wait3A_377] : memref<32768x384xf32, #tpu.memory_space<hbm>> -> memref<64x384xf32, #tpu.memory_space<hbm>>
    tpu.wait_dma2 semaphore(%arg18 : memref<!tpu.dma_semaphore, #tpu.memory_space<semaphore_mem>>) src(%arg8 : memref<64x384xf32, #tpu.memory_space<vmem>>) dst(%dma_wait3A_378 : memref<64x384xf32, #tpu.memory_space<hbm>>)
    %dma_wait3A_379 = arith.constant 0 : i32
    %dma_wait3A_380 = tpu.memref_slice %arg4[%add3A_336, %dma_wait3A_379] : memref<32768x384xf32, #tpu.memory_space<hbm>> -> memref<64x384xf32, #tpu.memory_space<hbm>>
    %dma_wait3A_381 = arith.constant 0 : i32
    %dma_wait3A_382 = tpu.memref_slice %arg4[%add3A_336, %dma_wait3A_381] : memref<32768x384xf32, #tpu.memory_space<hbm>> -> memref<64x384xf32, #tpu.memory_space<hbm>>
    tpu.wait_dma2 semaphore(%arg19 : memref<!tpu.dma_semaphore, #tpu.memory_space<semaphore_mem>>) src(%arg9 : memref<64x384xf32, #tpu.memory_space<vmem>>) dst(%dma_wait3A_382 : memref<64x384xf32, #tpu.memory_space<hbm>>)
    %dma_wait3A_383 = arith.constant 0 : i32
    %dma_wait3A_384 = tpu.memref_slice %arg4[%add3A_349, %dma_wait3A_383] : memref<32768x384xf32, #tpu.memory_space<hbm>> -> memref<64x384xf32, #tpu.memory_space<hbm>>
    %dma_wait3A_385 = arith.constant 0 : i32
    %dma_wait3A_386 = tpu.memref_slice %arg4[%add3A_349, %dma_wait3A_385] : memref<32768x384xf32, #tpu.memory_space<hbm>> -> memref<64x384xf32, #tpu.memory_space<hbm>>
    tpu.wait_dma2 semaphore(%arg20 : memref<!tpu.dma_semaphore, #tpu.memory_space<semaphore_mem>>) src(%arg10 : memref<64x384xf32, #tpu.memory_space<vmem>>) dst(%dma_wait3A_386 : memref<64x384xf32, #tpu.memory_space<hbm>>)
    return
  }
}

module attributes {stable_mosaic.version = 14 : i64} {
  func.func @_normalize_table_body(%arg0: memref<4608x384xf32, #tpu.memory_space<vmem>>, %arg1: memref<1x384xf32, #tpu.memory_space<vmem>>, %arg2: memref<4608x384xf32, #tpu.memory_space<vmem>>) attributes {dimension_semantics = [], scalar_prefetch = 0 : i64, scratch_operands = 0 : i64, tpu.core_type = #tpu.core_type<tc>} {
    %get3A = arith.constant 0 : index
    %get3A_0 = arith.constant 0 : index
    %get3A_1 = vector.load %arg0[%get3A, %get3A_0] : memref<4608x384xf32, #tpu.memory_space<vmem>>, vector<4608x384xf32>
    %mul3A = arith.mulf %get3A_1, %get3A_1 : vector<4608x384xf32>
    %reduce_sum3A = arith.constant dense<0.000000e+00> : vector<4608xf32>
    %reduce_sum3A_2 = vector.multi_reduction <add>, %mul3A, %reduce_sum3A [1] : vector<4608x384xf32> to vector<4608xf32>
    %broadcast_in_dim3A = vector.shape_cast %reduce_sum3A_2 : vector<4608xf32> to vector<4608x1xf32>
    %div3A = arith.constant 3.840000e+02 : f32
    %div3A_3 = vector.broadcast %div3A : f32 to vector<4608x1xf32>
    %div3A_4 = arith.divf %broadcast_in_dim3A, %div3A_3 : vector<4608x1xf32>
    %add3A = arith.constant 9.99999997E-7 : f32
    %add3A_5 = vector.broadcast %add3A : f32 to vector<4608x1xf32>
    %add3A_6 = arith.addf %div3A_4, %add3A_5 : vector<4608x1xf32>
    %rsqrt3A = math.rsqrt %add3A_6 : vector<4608x1xf32>
    %mul3A_7 = vector.broadcast %rsqrt3A : vector<4608x1xf32> to vector<4608x384xf32>
    %mul3A_8 = arith.mulf %get3A_1, %mul3A_7 : vector<4608x384xf32>
    %get3A_9 = arith.constant 0 : index
    %get3A_10 = arith.constant 0 : index
    %get3A_11 = vector.load %arg1[%get3A_9, %get3A_10] : memref<1x384xf32, #tpu.memory_space<vmem>>, vector<1x384xf32>
    %mul3A_12 = vector.broadcast %get3A_11 : vector<1x384xf32> to vector<4608x384xf32>
    %mul3A_13 = arith.mulf %mul3A_8, %mul3A_12 : vector<4608x384xf32>
    %swap3A = arith.constant 0 : index
    %swap3A_14 = arith.constant 0 : index
    %swap3A_15 = vector.load %arg2[%swap3A, %swap3A_14] : memref<4608x384xf32, #tpu.memory_space<vmem>>, vector<4608x384xf32>
    tpu.vector_store %arg2[%swap3A, %swap3A_14], %mul3A_13 {strides = array<i32>} : memref<4608x384xf32, #tpu.memory_space<vmem>>, vector<4608x384xf32>,
    return
  }
}

</mosaic_0001>

<sc_bundles>
// kernel: kernel.4.cloned.1.call-start
scs
__scs_entry_jumppad:
0x0: {  	(pc) =	sbr.rel $0x88, $3  }
0x1: {  	(tag) =	ssettag $0x0;
	lr =	simm.s32 $0x1  }
0x2: {  	[smem:$0x3F9E] =	sst lr;
	_ =	strace $0xD0000000  }
0x3: {  	_ = 	snop  }
0x4: {  	_ = 	snop  }
0x5: {  	_ = 	snop  }
0x6: {  	_ = 	snop  }
0x7: {  	_ = 	snop  }
__scs_overlays_trampoline_lowered:
0x8: {  	[smem:$0x3FAD] =	sst s0  }
0x9: {  	[smem:$0x3FAE] =	sst s1  }
0xa: {  	[smem:$0x3FAF] =	sst s2  }
0xb: {  	[smem:$0x3FB0] =	sst s3  }
0xc: {  	[smem:$0x3FB1] =	sst s4  }
0xd: {  	[smem:$0x3FB2] =	sst s5  }
0xe: {  	[smem:$0x3FB3] =	sst s6  }
0xf: {  	[smem:$0x3FB4] =	sst s7  }
0x10: {  	[smem:$0x3FB5] =	sst s8  }
0x11: {  	[smem:$0x3FB6] =	sst s9;
	s0 =	simm.s32 @!p0 $0x0  }
0x12: {  	s1 =	sld [smem:$0x3F9C];
	s0 =	simm.s32 @p0 $0x1  }
0x13: {  	[smem:$0x3FB7] =	sst s0;
	s0 =	simm.s32 @!p1 $0x0  }
0x14: {  	s2 =	sld [smem:$0x3F9B];
	s0 =	simm.s32 @p1 $0x1  }
0x15: {  	[smem:$0x3FB8] =	sst s0;
	s0 =	simm.s32 @!p2 $0x0  }
0x16: {  	s3 =	sld [smem:$0x3FDB];
	s0 =	simm.s32 @p2 $0x1  }
0x17: {  	s4 =	simm.s32 $0x1BF5;
	[smem:$0x3FBA] =	sst s0  }
0x18: {  	s0 =	sld [smem:$0x3F9D];
	_ =	swait.ge [sflag:s4], $0x0  }
0x19: {  	s7 =	sld [smem:$0x3F9E]  }
0x1a: {  	s8 =	sadd.s32 $0xFFFFE003, lr  }
0x1b: {  	s9 =	sadd.s32 $0xFFFFFEF7, lr;
	s5 =	simm.s32 $0xFFFFFFFF;
	p2 =	slt.u32 s8, $0xFFFFF086  }
0x1c: {  	p1 =	slt.u32 s9, $0xF7A;
	s5 =	simm.s32 @!p2 $0x0  }
0x1d: {  	s5 =	simm.s32 @p1 $0x1;
	p0 =	seq.s32 s7, s2  }
0x1e: {  	s7 =	smul.u32 @!p0 $0xF7A, s2;
	p2 =	seq.s32 @!p0 s5, $0x0  }
0x1f: {  	s9 =	smul.u32 $0xF7A, s1;
	s8 =	simm.s32 @!p0 $0x1BF5;
	p2 =	por !p2, p0  }
0x20: {  	[sflag:s8] =	ssyncset.s32 @!p0 $0xFFFFF086;
	s6 =	sadd.s32 @!p0 s3, s7;
	s7 =	simm.s32 @!p0 $0x108  }
0x21: {  	s3 =	sadd.s32 s3, s9;
	s6 =	sadd.s32 @!p0 $0x88, s6;
	s7 =	simm.s32 @p2 $0x1082  }
0x22: {  	[simem:s7], [sflag:s8] =	dma.local @!p0 [hbm:s6], $0xF7A  }
0x23: {  	s9 =	sor.u32 $0xD0000000, s2;
	s6 =	simm.s32 $0x108;
	_ =	swait.ge @!p0 [sflag:s8], $0x0  }
0x24: {  	s3 =	sadd.s32 $0x88, s3;
	s6 =	simm.s32 @!p1 $0x1082;
	[sflag:s4] =	ssyncset.s32 $0xFFFFF086  }
0x25: {  	[simem:s6], [sflag:s4] =	dma.local [hbm:s3], $0xF7A  }
0x26: {  	[smem:$0x3F9E] =	sst s1;
	(tag) =	ssettag s2;
	_ =	strace s9  }
0x27: {  	s1 =	sld [smem:$0x3FAE]  }
0x28: {  	s2 =	sld [smem:$0x3FAF]  }
0x29: {  	s4 =	sld [smem:$0x3FB1]  }
0x2a: {  	p0 =	seq.s32 s5, $0x0;
	s5 =	sld [smem:$0x3FB2]  }
0x2b: {  	s6 =	sld [smem:$0x3FB3]  }
0x2c: {  	s7 =	sld [smem:$0x3FB4]  }
0x2d: {  	s3 =	simm.s32 $0x108;
	s8 =	sld [smem:$0x3FB5]  }
0x2e: {  	s3 =	simm.s32 @!p0 $0x1082;
	s9 =	sld [smem:$0x3FB6]  }
0x2f: {  	lr =	sadd.s32 s0, s3;
	s0 =	sld [smem:$0x3FAD]  }
0x30: {  	s3 =	sld [smem:$0x3FB0]  }
0x31: {  	[smem:$0x3FB9] =	sst s10  }
0x32: {  	s10 =	sld [smem:$0x3FB7];
	_ =	sdelay $0x3  }
0x33: {  	p0 =	seq.s32 s10, $0x1;
	s10 =	sld [smem:$0x3FB9];
	_ =	sdelay $0x3  }
0x34: {  	[smem:$0x3FB9] =	sst s10  }
0x35: {  	s10 =	sld [smem:$0x3FB8];
	_ =	sdelay $0x3  }
0x36: {  	p1 =	seq.s32 s10, $0x1;
	s10 =	sld [smem:$0x3FB9];
	_ =	sdelay $0x3  }
0x37: {  	[smem:$0x3FB9] =	sst s10  }
0x38: {  	s10 =	sld [smem:$0x3FBA]  }
0x39: {  	_ = 	snop;
	(pc) =	sbr.ind lr, $3  }
0x3a: {  	_ = 	snop  }
0x3b: {  	_ = 	snop  }
0x3c: {  	p2 =	seq.s32 s10, $0x1;
	s10 =	sld [smem:$0x3FB9]  }
0x3d: {  	_ =	shalt  }
0x3e: {  	_ =	shalt  }
0x3f: {  	_ =	shalt  }
0x40: {  	_ =	shalt  }
0x41: {  	_ =	shalt  }
0x42: {  	_ =	shalt  }
0x43: {  	_ =	shalt  }
0x44: {  	_ =	shalt  }
0x45: {  	_ =	shalt  }
0x46: {  	_ =	shalt  }
0x47: {  	_ =	shalt  }
0x48: {  	_ =	shalt  }
0x49: {  	_ =	shalt  }
0x4a: {  	_ =	shalt  }
0x4b: {  	_ =	shalt  }
0x4c: {  	_ =	shalt  }
0x4d: {  	_ =	shalt  }
0x4e: {  	_ =	shalt  }
0x4f: {  	_ =	shalt  }
0x50: {  	_ =	shalt  }
0x51: {  	_ =	shalt  }
0x52: {  	_ =	shalt  }
0x53: {  	_ =	shalt  }
0x54: {  	_ =	shalt  }
0x55: {  	_ =	shalt  }
0x56: {  	_ =	shalt  }
0x57: {  	_ =	shalt  }
0x58: {  	_ =	shalt  }
0x59: {  	_ =	shalt  }
0x5a: {  	_ =	shalt  }
0x5b: {  	_ =	shalt  }
0x5c: {  	_ =	shalt  }
0x5d: {  	_ =	shalt  }
0x5e: {  	_ =	shalt  }
0x5f: {  	_ =	shalt  }
0x60: {  	_ =	shalt  }
0x61: {  	_ =	shalt  }
0x62: {  	_ =	shalt  }
0x63: {  	_ =	shalt  }
0x64: {  	_ =	shalt  }
0x65: {  	_ =	shalt  }
0x66: {  	_ =	shalt  }
0x67: {  	_ =	shalt  }
0x68: {  	_ =	shalt  }
0x69: {  	_ =	shalt  }
0x6a: {  	_ =	shalt  }
0x6b: {  	_ =	shalt  }
0x6c: {  	_ =	shalt  }
0x6d: {  	_ =	shalt  }
0x6e: {  	_ =	shalt  }
0x6f: {  	_ =	shalt  }
0x70: {  	_ =	shalt  }
0x71: {  	_ =	shalt  }
0x72: {  	_ =	shalt  }
0x73: {  	_ =	shalt  }
0x74: {  	_ =	shalt  }
0x75: {  	_ =	shalt  }
0x76: {  	_ =	shalt  }
0x77: {  	_ =	shalt  }
0x78: {  	_ =	shalt  }
0x79: {  	_ =	shalt  }
0x7a: {  	_ =	shalt  }
0x7b: {  	_ =	shalt  }
0x7c: {  	_ =	shalt  }
0x7d: {  	_ =	shalt  }
0x7e: {  	_ =	shalt  }
0x7f: {  	_ =	shalt  }
0x80: {  	_ =	shalt  }
0x81: {  	_ =	shalt  }
0x82: {  	_ =	shalt  }
0x83: {  	_ =	shalt  }
0x84: {  	_ =	shalt  }
0x85: {  	_ =	shalt  }
0x86: {  	_ =	shalt  }
0x87: {  	_ =	shalt  }
.Lfunc_end0:
.L_simem_size_0:
called_computation_lowered:
.L_overlay_start_0:
0x88: {  	s2 =	sld [smem:$0x3FD9]  }
0x89: {  	s3 =	sld [smem:$0x3FFE];
	_ =	sdelay $0x1  }
0x8a: {  	s1 =	srdreg.scid  }
0x8b: {  	s0 =	sand.u32 $0x1, s1  }
0x8c: {  	s17 =	sshll.u32 s0, $0xA;
	s2 =	sadd.s32 s3, s2  }
0x8d: {  	s2 =	sadd.s32 s2, s17  }
0x8e: {  	[smem:$0x3FC5] =	sst s2  }
0x8f: {  	_ = 	snop  }
0x90: {  	s2 =	sld [smem:$0x3FD0];
	(tm) =	ssettm $0x1  }
0x91: {  	s18 =	sld [smem:$0x3FFB];
	_ =	sdelay $0x3  }
0x92: {  	_ =	strace s18  }
0x93: {  	s3 =	sld [smem:$0x3FFC];
	_ =	sdelay $0x3  }
0x94: {  	_ =	strace s3  }
0x95: {  	s3 =	sld [smem:$0x3FFD];
	_ =	sdelay $0x3  }
0x96: {  	_ =	strace s3  }
0x97: {  	_ =	strace $0x8FFFFFFF  }
0x98: {  	s19 =	sld [smem:$0x3FDB];
	_ =	sdelay $0x1  }
0x99: {  	s4 =	simm.s32 $_scs_section_size  }
0x9a: {  	s5 =	simm.s32 $_size__tile_overlayer_lowered;
	s6 =	simm.s32 $_tile_overlayer_lowered  }
0x9b: {  	s22 =	simm.s32 $0x1BFF;
	s21 =	sshll.u32 s6, $0x1;
	s3 =	sadd.s32 s4, s19  }
0x9c: {  	s7 =	simm.s32 $0x0;
	s20 =	sshll.u32 s5, $0x1;
	s5 =	sadd.s32 s21, s3  }
0x9d: {  	[timem:s7], [sflag:s22] =	dma.local [hbm:s5], s20  }
0x9e: {  	_ =	swait.ge [sflag:s22], s20  }
0x9f: {  	s4 =	ssub.s32 $0x0, s20;
	[sflag:s22] =	ssyncset.done $0x0  }
0xa0: {  	[sflag:s22] =	ssyncadd.s32 s4;
	_ =	sdelay $0x1  }
0xa1: {  	s23 =	simm.s32 $0x1B8B  }
0xa2: {  	_ =	swait.ge [sflag:s23], $0x1  }
0xa3: {  	[sflag:s23] =	ssyncset.done $0x0  }
0xa4: {  	s25 =	simm.s32 $0x1B8E;
	s24 =	sld [smem:$0x3FFE];
	[sflag:s23] =	ssyncadd.s32 $0xFFFFFFFF  }
0xa5: {  	s26 =	simm.s32 $execute0_lowered;
	[smem:$0x3FD2] =	sst s25  }
0xa6: {  	s5 =	sshll.u32 s26, $0x1;
	_ =	strace $0x80000046;
	[dreg:$0x1] =	wrdreg $0xFFFFFFFF  }
0xa7: {  	s28 =	simm.s32 $_size_execute0_lowered;
	s3 =	sadd.s32 s3, s5;
	[dreg:$0x0] =	wrdreg $0x0  }
0xa8: {  	s5 =	sshll.u32 s28, $0x1;
	[dreg:$0x2] =	wrdreg s3  }
0xa9: {  	[dreg:$0x3] =	wrdreg s5  }
0xaa: {  	[dreg:$0x4] =	wrdreg $0xC0  }
0xab: {  	_ =	task [dreg:s7], $0x5FFFF  }
0xac: {  	[dreg:$0x1] =	wrdreg $0xFFFFFFFF  }
0xad: {  	[dreg:$0x0] =	wrdreg $0x60  }
0xae: {  	[dreg:$0x2] =	wrdreg s24  }
0xaf: {  	[dreg:$0x3] =	wrdreg s2  }
0xb0: {  	[dreg:$0x4] =	wrdreg $0x9  }
0xb1: {  	_ =	task.clear_ibuf [dreg:s7], $0x5FFFF;
	_ =	strace $0x90000046  }
0xb2: {  	s29 =	simm.s32 $0x9;
	_ =	strace $0x80000048  }
0xb3: {  	_ =	swait.ge [sflag:s29], $0x1  }
0xb4: {  	[sflag:s29] =	ssyncadd.s32 $0xFFFFFFFF  }
0xb5: {  	_ =	strace $0x90000048  }
0xb6: {  	_ =	sfence  }
0xb7: {  	s30 =	sld [smem:$0x0];
	_ =	sdelay $0x2  }
0xb8: {  	s31 =	sshll.u32 s1, $0xD;
	s1 =	sshrl.u32 s1, $0x2  }
0xb9: {  	s3 =	sand.u32 $0x4000, s31;
	s1 =	sadd.s32 s1, s30  }
0xba: {  	s0 =	sor.u32 s3, s0;
	s1 =	sshll.u32 s1, $0x11  }
0xbb: {  	s0 =	sor.u32 s1, s0  }
0xbc: {  	s0 =	sadd.s32 $0x8F2B, s0  }
0xbd: {  	[sflag:s0] =	ssyncadd.remote.s32 $0x1  }
0xbe: {  	_ =	sfence.sel $0xFFFF  }
0xbf: {  	[dreg:$0x0] =	wrdreg $0xFFFFFFFF;
	(pc) =	sbr.abs _section_cstart, $3  }
0xc0: {  	[dreg:$0x1] =	wrdreg $0xFFFFFFFF  }
0xc1: {  	_ =	task.clear_ibuf [dreg:s7], $0x2FFFF;
	_ =	strace $0x9FFFFFFF  }
0xc2: {  	(tm) =	ssettm $0x7FFFFFFF  }
0xc3: {  	_ =	shalt  }
tec
execute0_lowered:
.L_overlay_start_1:
0x0: {  	(tag) =	ssettag $0x1  }
0x1: {  	s0 =	rddreg [dreg:$0x0];
	s1 =	srdreg.scid  }
0x2: {  	s2 =	stileid.u32;
	s3 =	rddreg [dreg:$0x1]  }
0x3: {  	s28 =	simm.s32 $0x800;
	s1 =	sand.u32 $0x1, s1;
	s2 =	sshll.u32 s2, $0x1  }
0x4: {  	s30 =	simm.s32 $0x1;
	s7 =	simm.s32 $0x3;
	s4 =	sor.u32 s1, s2  }
0x5: {  	s29 =	simm.s32 $0x4;
	s9 =	simm.s32 $0x9;
	s5 =	sshll.u32 s4, $0x8  }
0x6: {  	s2 =	simm.s32 $0x0;
	s6 =	smul.u32 $0xC000, s4;
	s5 =	sadd.s32 s5, s0  }
0x7: {  	s10 =	simm.s32 $0x5;
	[smem:$0x7FF] =	sst s2;
	s5 =	sadd.s32 $0x800, s5  }
0x8: {  	_ =	strace $0x80000047;
	s6 =	sadd.s32 s3, s6;
	[dreg:$0x3] =	wrdreg s5  }
0x9: {  	s11 =	simm.s32 $0xA;
	s12 =	sadd.s32 $0xC00, s6;
	[dreg:$0x13] =	wrdreg s6  }
0xa: {  	s4 =	smul.u32 $0x60000, s4;
	s13 =	sadd.s32 $0x1800, s6;
	[dreg:$0x4] =	wrdreg s12  }
0xb: {  	s31 =	simm.s32 $0x6800;
	s14 =	sadd.s32 $0x2400, s6;
	[dreg:$0x5] =	wrdreg s13  }
0xc: {  	s4 =	sshrl.u32 s4, $0x3;
	s15 =	sadd.s32 $0x3000, s6;
	[dreg:$0x6] =	wrdreg s14  }
0xd: {  	s16 =	sadd.s32 $0x3C00, s6;
	s3 =	sadd.s32 s3, s4;
	[dreg:$0x7] =	wrdreg s15  }
0xe: {  	s1 =	ssub.s32 $0x2, s1;
	[dreg:$0x8] =	wrdreg s16;
	s4 =	sadd.s32 $0x4800, s3  }
0xf: {  	s23 =	sshrl.u32 s1, $0x1;
	s17 =	sadd.s32 $0x5400, s3;
	[dreg:$0x9] =	wrdreg s4  }
0x10: {  	s1 =	ssub.s32 s1, s23;
	s18 =	sadd.s32 $0x6000, s3;
	[dreg:$0xa] =	wrdreg s17  }
0x11: {  	s5 =	sadd.s32 $0x2900, s0;
	s19 =	sadd.s32 $0x6C00, s3;
	[dreg:$0xb] =	wrdreg s18  }
0x12: {  	s6 =	smax.u32 s1, $0x1;
	s20 =	sadd.s32 $0x7800, s3;
	[dreg:$0xc] =	wrdreg s19  }
0x13: {  	s1 =	simm.s32 $0x6;
	s21 =	sadd.s32 $0x8400, s3;
	[dreg:$0xd] =	wrdreg s20  }
0x14: {  	s22 =	sadd.s32 $0x9000, s3;
	s24 =	sadd.s32 $0x9C00, s3;
	[dreg:$0xe] =	wrdreg s21  }
0x15: {  	s25 =	sadd.s32 $0xA800, s3;
	s26 =	sadd.s32 $0xB400, s3;
	[dreg:$0xf] =	wrdreg s22  }
0x16: {  	v2 =	vlaneseq.u32;
	s3 =	simm.s32 $0x7;
	s13 =	simm.s32 $0x12800;
	[dreg:$0x10] =	wrdreg s24  }
0x17: {  	vm0 =	vmmov $0xffff;
	vm1 =	vmmov $0xff;
	v1 =	vshrl.u32 v2, $0x3;
	s14 =	simm.s32 $0x18800;
	s4 =	sadd.s32 $0x2800, s0;
	[dreg:$0x11] =	wrdreg s25  }
0x18: {  	v0 =	vand.u32 $0x7, v2;
	v2 =	vor.u32 $0x8, v2;
	v1 =	vmul.u32 $0x8, v1;
	[dreg:$0x12] =	wrdreg s26;
	s0 =	simm.s32 $0x2;
	s25 =	simm.s32 $0x8  }
.LBB2_1:
0x19: {  	s12 =	rddreg [dreg:$0x3];
	s18 =	simm.s32 $0xB  }
0x1a: {  	[tilespmem:s2], [sflag:$0xB] =	stream.linear.gather [hbm4b:s12+s2], $0x800, $0x38;
	[tilespmem:$0x1E800] =	vst v63  }
0x1b: {  	_ =	swait.ge [sflag:s18], $0x800  }
0x1c: {  	[sflag:s18] =	ssyncset.done $0x0  }
0x1d: {  	[sflag:s18] =	ssyncadd.s32 $0xFFFFF800  }
0x1e: {  	v3 =	vld [tilespmem:$0x0];
	_ =	sdelay $0x4  }
0x1f: {  	v4 =	vshrl.u32 v3, $0x3  }
0x20: {  	v4 =	vmul.u32 $0x18, v4  }
0x21: {  	v3 =	vand.u32 $0x7, v3  }
0x22: {  	v3 =	vor.u32 v3, v4  }
0x23: {  	v4 =	vperm.xlane v3, v0;
	_ =	sdelay $0x1  }
0x24: {  	v4 =	vadd.s32 v1, v4;
	_ =	sdelay $0x1  }
0x25: {  	v3 =	vperm.xlane v3, v2;
	_ =	sdelay $0x1  }
0x26: {  	v3 =	vadd.s32 v1, v3  }
0x27: {  	[tilespmem:s28], [sflag:$0x1] =	stream.indirect_vreg.gather [hbm4b:s4+s2], $0x80, v4, vm0, $0xb8;
	[tilespmem:$0x1E800] =	vst v63  }
0x28: {  	s8 =	simm.s32 $0x1000  }
0x29: {  	[tilespmem:s8], [sflag:$0x1] =	stream.indirect_vreg.gather [hbm4b:s5+s2], $0x80, v4, vm1, $0xb8;
	[tilespmem:$0x1E800] =	vst v63  }
0x2a: {  	s19 =	simm.s32 $0x1400  }
0x2b: {  	[tilespmem:s19], [sflag:$0x1] =	stream.indirect_vreg.gather [hbm4b:s4+s2], $0x80, v3, vm0, $0xb8;
	[tilespmem:$0x1E800] =	vst v63  }
0x2c: {  	s20 =	simm.s32 $0x1C00  }
0x2d: {  	[tilespmem:s20], [sflag:$0x1] =	stream.indirect_vreg.gather [hbm4b:s5+s2], $0x80, v3, vm1, $0xb8;
	[tilespmem:$0x1E800] =	vst v63  }
0x2e: {  	v3 =	vld [tilespmem:$0x10];
	_ =	sdelay $0x4  }
0x2f: {  	v57 =	vshrl.u32 v3, $0x3  }
0x30: {  	v4 =	vmul.u32 $0x18, v57  }
0x31: {  	v3 =	vand.u32 $0x7, v3  }
0x32: {  	v3 =	vor.u32 v3, v4  }
0x33: {  	v4 =	vperm.xlane v3, v0;
	_ =	sdelay $0x1  }
0x34: {  	v4 =	vadd.s32 v1, v4;
	_ =	sdelay $0x1  }
0x35: {  	v3 =	vperm.xlane v3, v2;
	_ =	sdelay $0x1  }
0x36: {  	s21 =	simm.s32 $0x2000;
	v3 =	vadd.s32 v1, v3  }
0x37: {  	[tilespmem:s21], [sflag:$0x1] =	stream.indirect_vreg.gather [hbm4b:s4+s2], $0x80, v4, vm0, $0xb8;
	[tilespmem:$0x1E800] =	vst v63  }
0x38: {  	s22 =	simm.s32 $0x2800  }
0x39: {  	[tilespmem:s22], [sflag:$0x1] =	stream.indirect_vreg.gather [hbm4b:s5+s2], $0x80, v4, vm1, $0xb8;
	[tilespmem:$0x1E800] =	vst v63  }
0x3a: {  	s23 =	simm.s32 $0x2C00  }
0x3b: {  	[tilespmem:s23], [sflag:$0x1] =	stream.indirect_vreg.gather [hbm4b:s4+s2], $0x80, v3, vm0, $0xb8;
	[tilespmem:$0x1E800] =	vst v63  }
0x3c: {  	s24 =	simm.s32 $0x3400  }
0x3d: {  	[tilespmem:s24], [sflag:$0x1] =	stream.indirect_vreg.gather [hbm4b:s5+s2], $0x80, v3, vm1, $0xb8;
	[tilespmem:$0x1E800] =	vst v63  }
0x3e: {  	v3 =	vld [tilespmem:$0x20];
	_ =	sdelay $0x4  }
0x3f: {  	v58 =	vshrl.u32 v3, $0x3  }
0x40: {  	v4 =	vmul.u32 $0x18, v58  }
0x41: {  	v3 =	vand.u32 $0x7, v3  }
0x42: {  	v3 =	vor.u32 v3, v4  }
0x43: {  	v4 =	vperm.xlane v3, v0;
	_ =	sdelay $0x1  }
0x44: {  	v4 =	vadd.s32 v1, v4;
	_ =	sdelay $0x1  }
0x45: {  	v3 =	vperm.xlane v3, v2;
	_ =	sdelay $0x1  }
0x46: {  	s26 =	simm.s32 $0x3800;
	v3 =	vadd.s32 v1, v3  }
0x47: {  	[tilespmem:s26], [sflag:$0x1] =	stream.indirect_vreg.gather [hbm4b:s4+s2], $0x80, v4, vm0, $0xb8;
	[tilespmem:$0x1E800] =	vst v63  }
0x48: {  	s12 =	simm.s32 $0x4000  }
0x49: {  	[tilespmem:s12], [sflag:$0x1] =	stream.indirect_vreg.gather [hbm4b:s5+s2], $0x80, v4, vm1, $0xb8;
	[tilespmem:$0x1E800] =	vst v63  }
0x4a: {  	s15 =	simm.s32 $0x4400  }
0x4b: {  	[tilespmem:s15], [sflag:$0x1] =	stream.indirect_vreg.gather [hbm4b:s4+s2], $0x80, v3, vm0, $0xb8;
	[tilespmem:$0x1E800] =	vst v63  }
0x4c: {  	s16 =	simm.s32 $0x4C00  }
0x4d: {  	[tilespmem:s16], [sflag:$0x1] =	stream.indirect_vreg.gather [hbm4b:s5+s2], $0x80, v3, vm1, $0xb8;
	[tilespmem:$0x1E800] =	vst v63  }
0x4e: {  	v3 =	vld [tilespmem:$0x30];
	_ =	sdelay $0x4  }
0x4f: {  	v59 =	vshrl.u32 v3, $0x3  }
0x50: {  	v4 =	vmul.u32 $0x18, v59  }
0x51: {  	v3 =	vand.u32 $0x7, v3  }
0x52: {  	v3 =	vor.u32 v3, v4  }
0x53: {  	v4 =	vperm.xlane v3, v0;
	_ =	sdelay $0x1  }
0x54: {  	v4 =	vadd.s32 v1, v4;
	_ =	sdelay $0x1  }
0x55: {  	v3 =	vperm.xlane v3, v2;
	_ =	sdelay $0x1  }
0x56: {  	s18 =	simm.s32 $0x5000;
	v3 =	vadd.s32 v1, v3  }
0x57: {  	[tilespmem:s18], [sflag:$0x1] =	stream.indirect_vreg.gather [hbm4b:s4+s2], $0x80, v4, vm0, $0xb8;
	[tilespmem:$0x1E800] =	vst v63  }
0x58: {  	s19 =	simm.s32 $0x5800  }
0x59: {  	[tilespmem:s19], [sflag:$0x1] =	stream.indirect_vreg.gather [hbm4b:s5+s2], $0x80, v4, vm1, $0xb8;
	[tilespmem:$0x1E800] =	vst v63  }
0x5a: {  	s21 =	simm.s32 $0x5C00  }
0x5b: {  	[tilespmem:s21], [sflag:$0x1] =	stream.indirect_vreg.gather [hbm4b:s4+s2], $0x80, v3, vm0, $0xb8;
	[tilespmem:$0x1E800] =	vst v63  }
0x5c: {  	s22 =	simm.s32 $0x6400  }
0x5d: {  	[tilespmem:s22], [sflag:$0x1] =	stream.indirect_vreg.gather [hbm4b:s5+s2], $0x80, v3, vm1, $0xb8;
	[tilespmem:$0x1E800] =	vst v63  }
0x5e: {  	v3 =	vld [tilespmem:$0x80];
	_ =	sdelay $0x4  }
0x5f: {  	v60 =	vshrl.u32 v3, $0x3  }
0x60: {  	v4 =	vmul.u32 $0x18, v60  }
0x61: {  	v3 =	vand.u32 $0x7, v3  }
0x62: {  	v3 =	vor.u32 v3, v4  }
0x63: {  	v4 =	vperm.xlane v3, v0;
	_ =	sdelay $0x1  }
0x64: {  	v4 =	vadd.s32 v1, v4;
	_ =	sdelay $0x1  }
0x65: {  	v3 =	vperm.xlane v3, v2;
	_ =	sdelay $0x1  }
0x66: {  	v3 =	vadd.s32 v1, v3  }
0x67: {  	[tilespmem:s31], [sflag:$0x2] =	stream.indirect_vreg.gather [hbm4b:s4+s2], $0x80, v4, vm0, $0xb8;
	[tilespmem:$0x1E800] =	vst v63  }
0x68: {  	s24 =	simm.s32 $0x7000  }
0x69: {  	[tilespmem:s24], [sflag:$0x2] =	stream.indirect_vreg.gather [hbm4b:s5+s2], $0x80, v4, vm1, $0xb8;
	[tilespmem:$0x1E800] =	vst v63  }
0x6a: {  	s26 =	simm.s32 $0x7400  }
0x6b: {  	[tilespmem:s26], [sflag:$0x2] =	stream.indirect_vreg.gather [hbm4b:s4+s2], $0x80, v3, vm0, $0xb8;
	[tilespmem:$0x1E800] =	vst v63  }
0x6c: {  	s12 =	simm.s32 $0x7C00  }
0x6d: {  	[tilespmem:s12], [sflag:$0x2] =	stream.indirect_vreg.gather [hbm4b:s5+s2], $0x80, v3, vm1, $0xb8;
	[tilespmem:$0x1E800] =	vst v63  }
0x6e: {  	v3 =	vld [tilespmem:$0x90];
	_ =	sdelay $0x4  }
0x6f: {  	v61 =	vshrl.u32 v3, $0x3  }
0x70: {  	v4 =	vmul.u32 $0x18, v61  }
0x71: {  	v3 =	vand.u32 $0x7, v3  }
0x72: {  	v3 =	vor.u32 v3, v4  }
0x73: {  	v4 =	vperm.xlane v3, v0;
	_ =	sdelay $0x1  }
0x74: {  	v4 =	vadd.s32 v1, v4;
	_ =	sdelay $0x1  }
0x75: {  	v3 =	vperm.xlane v3, v2;
	_ =	sdelay $0x1  }
0x76: {  	s15 =	simm.s32 $0x8000;
	v3 =	vadd.s32 v1, v3  }
0x77: {  	[tilespmem:s15], [sflag:$0x2] =	stream.indirect_vreg.gather [hbm4b:s4+s2], $0x80, v4, vm0, $0xb8;
	[tilespmem:$0x1E800] =	vst v63  }
0x78: {  	s16 =	simm.s32 $0x8800  }
0x79: {  	[tilespmem:s16], [sflag:$0x2] =	stream.indirect_vreg.gather [hbm4b:s5+s2], $0x80, v4, vm1, $0xb8;
	[tilespmem:$0x1E800] =	vst v63  }
0x7a: {  	s18 =	simm.s32 $0x8C00  }
0x7b: {  	[tilespmem:s18], [sflag:$0x2] =	stream.indirect_vreg.gather [hbm4b:s4+s2], $0x80, v3, vm0, $0xb8;
	[tilespmem:$0x1E800] =	vst v63  }
0x7c: {  	s19 =	simm.s32 $0x9400  }
0x7d: {  	[tilespmem:s19], [sflag:$0x2] =	stream.indirect_vreg.gather [hbm4b:s5+s2], $0x80, v3, vm1, $0xb8;
	[tilespmem:$0x1E800] =	vst v63  }
0x7e: {  	v3 =	vld [tilespmem:$0xA0];
	_ =	sdelay $0x4  }
0x7f: {  	v62 =	vshrl.u32 v3, $0x3  }
0x80: {  	v4 =	vmul.u32 $0x18, v62  }
0x81: {  	v3 =	vand.u32 $0x7, v3  }
0x82: {  	v3 =	vor.u32 v3, v4  }
0x83: {  	v4 =	vperm.xlane v3, v0;
	_ =	sdelay $0x1  }
0x84: {  	v4 =	vadd.s32 v1, v4;
	_ =	sdelay $0x1  }
0x85: {  	v3 =	vperm.xlane v3, v2;
	_ =	sdelay $0x1  }
0x86: {  	s21 =	simm.s32 $0x9800;
	v3 =	vadd.s32 v1, v3  }
0x87: {  	[tilespmem:s21], [sflag:$0x2] =	stream.indirect_vreg.gather [hbm4b:s4+s2], $0x80, v4, vm0, $0xb8;
	[tilespmem:$0x1E800] =	vst v63  }
0x88: {  	s22 =	simm.s32 $0xA000  }
0x89: {  	[tilespmem:s22], [sflag:$0x2] =	stream.indirect_vreg.gather [hbm4b:s5+s2], $0x80, v4, vm1, $0xb8;
	[tilespmem:$0x1E800] =	vst v63  }
0x8a: {  	s24 =	simm.s32 $0xA400  }
0x8b: {  	[tilespmem:s24], [sflag:$0x2] =	stream.indirect_vreg.gather [hbm4b:s4+s2], $0x80, v3, vm0, $0xb8;
	[tilespmem:$0x1E800] =	vst v63  }
0x8c: {  	s26 =	simm.s32 $0xAC00  }
0x8d: {  	[tilespmem:s26], [sflag:$0x2] =	stream.indirect_vreg.gather [hbm4b:s5+s2], $0x80, v3, vm1, $0xb8;
	[tilespmem:$0x1E800] =	vst v63  }
0x8e: {  	v3 =	vld [tilespmem:$0xB0];
	_ =	sdelay $0x4  }
0x8f: {  	v63 =	vshrl.u32 v3, $0x3  }
0x90: {  	v4 =	vmul.u32 $0x18, v63  }
0x91: {  	v3 =	vand.u32 $0x7, v3  }
0x92: {  	v3 =	vor.u32 v3, v4  }
0x93: {  	v4 =	vperm.xlane v3, v0;
	_ =	sdelay $0x1  }
0x94: {  	v4 =	vadd.s32 v1, v4;
	_ =	sdelay $0x1  }
0x95: {  	v3 =	vperm.xlane v3, v2;
	_ =	sdelay $0x1  }
0x96: {  	s12 =	simm.s32 $0xB000;
	v3 =	vadd.s32 v1, v3  }
0x97: {  	[tilespmem:s12], [sflag:$0x2] =	stream.indirect_vreg.gather [hbm4b:s4+s2], $0x80, v4, vm0, $0xb8;
	[tilespmem:$0x1E800] =	vst v63  }
0x98: {  	s15 =	simm.s32 $0xB800  }
0x99: {  	[tilespmem:s15], [sflag:$0x2] =	stream.indirect_vreg.gather [hbm4b:s5+s2], $0x80, v4, vm1, $0xb8;
	[tilespmem:$0x1E800] =	vst v63  }
0x9a: {  	s16 =	simm.s32 $0xBC00  }
0x9b: {  	[tilespmem:s16], [sflag:$0x2] =	stream.indirect_vreg.gather [hbm4b:s4+s2], $0x80, v3, vm0, $0xb8;
	[tilespmem:$0x1E800] =	vst v63  }
0x9c: {  	s18 =	simm.s32 $0xC400  }
0x9d: {  	[tilespmem:s18], [sflag:$0x2] =	stream.indirect_vreg.gather [hbm4b:s5+s2], $0x80, v3, vm1, $0xb8;
	[tilespmem:$0x1E800] =	vst v63  }
0x9e: {  	v3 =	vld [tilespmem:$0x100];
	_ =	sdelay $0x4  }
0x9f: {  	v8 =	vshrl.u32 v3, $0x3  }
0xa0: {  	v4 =	vmul.u32 $0x18, v8  }
0xa1: {  	v3 =	vand.u32 $0x7, v3  }
0xa2: {  	v3 =	vor.u32 v3, v4  }
0xa3: {  	v4 =	vperm.xlane v3, v0;
	_ =	sdelay $0x1  }
0xa4: {  	v4 =	vadd.s32 v1, v4;
	_ =	sdelay $0x1  }
0xa5: {  	v3 =	vperm.xlane v3, v2;
	_ =	sdelay $0x1  }
0xa6: {  	s8 =	simm.s32 $0xC800;
	v3 =	vadd.s32 v1, v3  }
0xa7: {  	[tilespmem:s8], [sflag:$0x3] =	stream.indirect_vreg.gather [hbm4b:s4+s2], $0x80, v4, vm0, $0xb8;
	[tilespmem:$0x1E800] =	vst v63  }
0xa8: {  	s19 =	simm.s32 $0xD000  }
0xa9: {  	[tilespmem:s19], [sflag:$0x3] =	stream.indirect_vreg.gather [hbm4b:s5+s2], $0x80, v4, vm1, $0xb8;
	[tilespmem:$0x1E800] =	vst v63  }
0xaa: {  	s21 =	simm.s32 $0xD400  }
0xab: {  	[tilespmem:s21], [sflag:$0x3] =	stream.indirect_vreg.gather [hbm4b:s4+s2], $0x80, v3, vm0, $0xb8;
	[tilespmem:$0x1E800] =	vst v63  }
0xac: {  	s22 =	simm.s32 $0xDC00  }
0xad: {  	[tilespmem:s22], [sflag:$0x3] =	stream.indirect_vreg.gather [hbm4b:s5+s2], $0x80, v3, vm1, $0xb8;
	[tilespmem:$0x1E800] =	vst v63  }
0xae: {  	v3 =	vld [tilespmem:$0x110];
	_ =	sdelay $0x4  }
0xaf: {  	v9 =	vshrl.u32 v3, $0x3  }
0xb0: {  	v4 =	vmul.u32 $0x18, v9  }
0xb1: {  	v3 =	vand.u32 $0x7, v3  }
0xb2: {  	v3 =	vor.u32 v3, v4  }
0xb3: {  	v4 =	vperm.xlane v3, v0;
	_ =	sdelay $0x1  }
0xb4: {  	v4 =	vadd.s32 v1, v4;
	_ =	sdelay $0x1  }
0xb5: {  	v3 =	vperm.xlane v3, v2;
	_ =	sdelay $0x1  }
0xb6: {  	s24 =	simm.s32 $0xE000;
	v3 =	vadd.s32 v1, v3  }
0xb7: {  	[tilespmem:s24], [sflag:$0x3] =	stream.indirect_vreg.gather [hbm4b:s4+s2], $0x80, v4, vm0, $0xb8;
	[tilespmem:$0x1E800] =	vst v63  }
0xb8: {  	s26 =	simm.s32 $0xE800  }
0xb9: {  	[tilespmem:s26], [sflag:$0x3] =	stream.indirect_vreg.gather [hbm4b:s5+s2], $0x80, v4, vm1, $0xb8;
	[tilespmem:$0x1E800] =	vst v63  }
0xba: {  	s15 =	simm.s32 $0xEC00  }
0xbb: {  	[tilespmem:s15], [sflag:$0x3] =	stream.indirect_vreg.gather [hbm4b:s4+s2], $0x80, v3, vm0, $0xb8;
	[tilespmem:$0x1E800] =	vst v63  }
0xbc: {  	s16 =	simm.s32 $0xF400  }
0xbd: {  	[tilespmem:s16], [sflag:$0x3] =	stream.indirect_vreg.gather [hbm4b:s5+s2], $0x80, v3, vm1, $0xb8;
	[tilespmem:$0x1E800] =	vst v63  }
0xbe: {  	v3 =	vld [tilespmem:$0x120];
	_ =	sdelay $0x4  }
0xbf: {  	v10 =	vshrl.u32 v3, $0x3  }
0xc0: {  	v4 =	vmul.u32 $0x18, v10  }
0xc1: {  	v3 =	vand.u32 $0x7, v3  }
0xc2: {  	v3 =	vor.u32 v3, v4  }
0xc3: {  	v4 =	vperm.xlane v3, v0;
	_ =	sdelay $0x1  }
0xc4: {  	v4 =	vadd.s32 v1, v4;
	_ =	sdelay $0x1  }
0xc5: {  	v3 =	vperm.xlane v3, v2;
	_ =	sdelay $0x1  }
0xc6: {  	s18 =	simm.s32 $0xF800;
	v3 =	vadd.s32 v1, v3  }
0xc7: {  	[tilespmem:s18], [sflag:$0x3] =	stream.indirect_vreg.gather [hbm4b:s4+s2], $0x80, v4, vm0, $0xb8;
	[tilespmem:$0x1E800] =	vst v63  }
0xc8: {  	s19 =	simm.s32 $0x10000  }
0xc9: {  	[tilespmem:s19], [sflag:$0x3] =	stream.indirect_vreg.gather [hbm4b:s5+s2], $0x80, v4, vm1, $0xb8;
	[tilespmem:$0x1E800] =	vst v63  }
0xca: {  	s21 =	simm.s32 $0x10400  }
0xcb: {  	[tilespmem:s21], [sflag:$0x3] =	stream.indirect_vreg.gather [hbm4b:s4+s2], $0x80, v3, vm0, $0xb8;
	[tilespmem:$0x1E800] =	vst v63  }
0xcc: {  	s22 =	simm.s32 $0x10C00  }
0xcd: {  	[tilespmem:s22], [sflag:$0x3] =	stream.indirect_vreg.gather [hbm4b:s5+s2], $0x80, v3, vm1, $0xb8;
	[tilespmem:$0x1E800] =	vst v63  }
0xce: {  	v3 =	vld [tilespmem:$0x130];
	_ =	sdelay $0x4  }
0xcf: {  	v11 =	vshrl.u32 v3, $0x3  }
0xd0: {  	v4 =	vmul.u32 $0x18, v11  }
0xd1: {  	v3 =	vand.u32 $0x7, v3  }
0xd2: {  	v3 =	vor.u32 v3, v4  }
0xd3: {  	v4 =	vperm.xlane v3, v0;
	_ =	sdelay $0x1  }
0xd4: {  	v4 =	vadd.s32 v1, v4;
	_ =	sdelay $0x1  }
0xd5: {  	v3 =	vperm.xlane v3, v2;
	_ =	sdelay $0x1  }
0xd6: {  	s24 =	simm.s32 $0x11000;
	v3 =	vadd.s32 v1, v3  }
0xd7: {  	[tilespmem:s24], [sflag:$0x3] =	stream.indirect_vreg.gather [hbm4b:s4+s2], $0x80, v4, vm0, $0xb8;
	[tilespmem:$0x1E800] =	vst v63  }
0xd8: {  	s26 =	simm.s32 $0x11800  }
0xd9: {  	[tilespmem:s26], [sflag:$0x3] =	stream.indirect_vreg.gather [hbm4b:s5+s2], $0x80, v4, vm1, $0xb8;
	[tilespmem:$0x1E800] =	vst v63  }
0xda: {  	s15 =	simm.s32 $0x11C00  }
0xdb: {  	[tilespmem:s15], [sflag:$0x3] =	stream.indirect_vreg.gather [hbm4b:s4+s2], $0x80, v3, vm0, $0xb8;
	[tilespmem:$0x1E800] =	vst v63  }
0xdc: {  	s16 =	simm.s32 $0x12400  }
0xdd: {  	[tilespmem:s16], [sflag:$0x3] =	stream.indirect_vreg.gather [hbm4b:s5+s2], $0x80, v3, vm1, $0xb8;
	[tilespmem:$0x1E800] =	vst v63  }
0xde: {  	v3 =	vld [tilespmem:$0x180];
	_ =	sdelay $0x4  }
0xdf: {  	v12 =	vshrl.u32 v3, $0x3  }
0xe0: {  	v4 =	vmul.u32 $0x18, v12  }
0xe1: {  	v3 =	vand.u32 $0x7, v3  }
0xe2: {  	v3 =	vor.u32 v3, v4  }
0xe3: {  	v4 =	vperm.xlane v3, v0;
	_ =	sdelay $0x1  }
0xe4: {  	v4 =	vadd.s32 v1, v4;
	_ =	sdelay $0x1  }
0xe5: {  	v3 =	vperm.xlane v3, v2;
	_ =	sdelay $0x1  }
0xe6: {  	v3 =	vadd.s32 v1, v3  }
0xe7: {  	[tilespmem:s13], [sflag:$0x4] =	stream.indirect_vreg.gather [hbm4b:s4+s2], $0x80, v4, vm0, $0xb8;
	[tilespmem:$0x1E800] =	vst v63  }
0xe8: {  	s18 =	simm.s32 $0x13000  }
0xe9: {  	[tilespmem:s18], [sflag:$0x4] =	stream.indirect_vreg.gather [hbm4b:s5+s2], $0x80, v4, vm1, $0xb8;
	[tilespmem:$0x1E800] =	vst v63  }
0xea: {  	s19 =	simm.s32 $0x13400  }
0xeb: {  	[tilespmem:s19], [sflag:$0x4] =	stream.indirect_vreg.gather [hbm4b:s4+s2], $0x80, v3, vm0, $0xb8;
	[tilespmem:$0x1E800] =	vst v63  }
0xec: {  	s21 =	simm.s32 $0x13C00  }
0xed: {  	[tilespmem:s21], [sflag:$0x4] =	stream.indirect_vreg.gather [hbm4b:s5+s2], $0x80, v3, vm1, $0xb8;
	[tilespmem:$0x1E800] =	vst v63  }
0xee: {  	v3 =	vld [tilespmem:$0x190];
	_ =	sdelay $0x4  }
0xef: {  	v13 =	vshrl.u32 v3, $0x3  }
0xf0: {  	v4 =	vmul.u32 $0x18, v13  }
0xf1: {  	v3 =	vand.u32 $0x7, v3  }
0xf2: {  	v3 =	vor.u32 v3, v4  }
0xf3: {  	v4 =	vperm.xlane v3, v0;
	_ =	sdelay $0x1  }
0xf4: {  	v4 =	vadd.s32 v1, v4;
	_ =	sdelay $0x1  }
0xf5: {  	v3 =	vperm.xlane v3, v2;
	_ =	sdelay $0x1  }
0xf6: {  	s22 =	simm.s32 $0x14000;
	v3 =	vadd.s32 v1, v3  }
0xf7: {  	[tilespmem:s22], [sflag:$0x4] =	stream.indirect_vreg.gather [hbm4b:s4+s2], $0x80, v4, vm0, $0xb8;
	[tilespmem:$0x1E800] =	vst v63  }
0xf8: {  	s24 =	simm.s32 $0x14800  }
0xf9: {  	[tilespmem:s24], [sflag:$0x4] =	stream.indirect_vreg.gather [hbm4b:s5+s2], $0x80, v4, vm1, $0xb8;
	[tilespmem:$0x1E800] =	vst v63  }
0xfa: {  	s26 =	simm.s32 $0x14C00  }
0xfb: {  	[tilespmem:s26], [sflag:$0x4] =	stream.indirect_vreg.gather [hbm4b:s4+s2], $0x80, v3, vm0, $0xb8;
	[tilespmem:$0x1E800] =	vst v63  }
0xfc: {  	s15 =	simm.s32 $0x15400  }
0xfd: {  	[tilespmem:s15], [sflag:$0x4] =	stream.indirect_vreg.gather [hbm4b:s5+s2], $0x80, v3, vm1, $0xb8;
	[tilespmem:$0x1E800] =	vst v63  }
0xfe: {  	v3 =	vld [tilespmem:$0x1A0];
	_ =	sdelay $0x4  }
0xff: {  	v14 =	vshrl.u32 v3, $0x3  }
0x100: {  	v4 =	vmul.u32 $0x18, v14  }
0x101: {  	v3 =	vand.u32 $0x7, v3  }
0x102: {  	v3 =	vor.u32 v3, v4  }
0x103: {  	v4 =	vperm.xlane v3, v0;
	_ =	sdelay $0x1  }
0x104: {  	v4 =	vadd.s32 v1, v4;
	_ =	sdelay $0x1  }
0x105: {  	v3 =	vperm.xlane v3, v2;
	_ =	sdelay $0x1  }
0x106: {  	s16 =	simm.s32 $0x15800;
	v3 =	vadd.s32 v1, v3  }
0x107: {  	[tilespmem:s16], [sflag:$0x4] =	stream.indirect_vreg.gather [hbm4b:s4+s2], $0x80, v4, vm0, $0xb8;
	[tilespmem:$0x1E800] =	vst v63  }
0x108: {  	s18 =	simm.s32 $0x16000  }
0x109: {  	[tilespmem:s18], [sflag:$0x4] =	stream.indirect_vreg.gather [hbm4b:s5+s2], $0x80, v4, vm1, $0xb8;
	[tilespmem:$0x1E800] =	vst v63  }
0x10a: {  	s19 =	simm.s32 $0x16400  }
0x10b: {  	[tilespmem:s19], [sflag:$0x4] =	stream.indirect_vreg.gather [hbm4b:s4+s2], $0x80, v3, vm0, $0xb8;
	[tilespmem:$0x1E800] =	vst v63  }
0x10c: {  	s21 =	simm.s32 $0x16C00  }
0x10d: {  	[tilespmem:s21], [sflag:$0x4] =	stream.indirect_vreg.gather [hbm4b:s5+s2], $0x80, v3, vm1, $0xb8;
	[tilespmem:$0x1E800] =	vst v63  }
0x10e: {  	v3 =	vld [tilespmem:$0x1B0];
	_ =	sdelay $0x4  }
0x10f: {  	v15 =	vshrl.u32 v3, $0x3  }
0x110: {  	v4 =	vmul.u32 $0x18, v15  }
0x111: {  	v3 =	vand.u32 $0x7, v3  }
0x112: {  	v3 =	vor.u32 v3, v4  }
0x113: {  	v4 =	vperm.xlane v3, v0;
	_ =	sdelay $0x1  }
0x114: {  	v4 =	vadd.s32 v1, v4;
	_ =	sdelay $0x1  }
0x115: {  	v3 =	vperm.xlane v3, v2;
	_ =	sdelay $0x1  }
0x116: {  	s22 =	simm.s32 $0x17000;
	v3 =	vadd.s32 v1, v3  }
0x117: {  	[tilespmem:s22], [sflag:$0x4] =	stream.indirect_vreg.gather [hbm4b:s4+s2], $0x80, v4, vm0, $0xb8;
	[tilespmem:$0x1E800] =	vst v63  }
0x118: {  	s24 =	simm.s32 $0x17800  }
0x119: {  	[tilespmem:s24], [sflag:$0x4] =	stream.indirect_vreg.gather [hbm4b:s5+s2], $0x80, v4, vm1, $0xb8;
	[tilespmem:$0x1E800] =	vst v63  }
0x11a: {  	s26 =	simm.s32 $0x17C00  }
0x11b: {  	[tilespmem:s26], [sflag:$0x4] =	stream.indirect_vreg.gather [hbm4b:s4+s2], $0x80, v3, vm0, $0xb8;
	[tilespmem:$0x1E800] =	vst v63  }
0x11c: {  	s15 =	simm.s32 $0x18400  }
0x11d: {  	[tilespmem:s15], [sflag:$0x4] =	stream.indirect_vreg.gather [hbm4b:s5+s2], $0x80, v3, vm1, $0xb8;
	[tilespmem:$0x1E800] =	vst v63  }
0x11e: {  	v3 =	vld [tilespmem:$0x200];
	_ =	sdelay $0x4  }
0x11f: {  	v16 =	vshrl.u32 v3, $0x3  }
0x120: {  	v4 =	vmul.u32 $0x18, v16  }
0x121: {  	v3 =	vand.u32 $0x7, v3  }
0x122: {  	v3 =	vor.u32 v3, v4  }
0x123: {  	v4 =	vperm.xlane v3, v0;
	_ =	sdelay $0x1  }
0x124: {  	v4 =	vadd.s32 v1, v4;
	_ =	sdelay $0x1  }
0x125: {  	v3 =	vperm.xlane v3, v2;
	_ =	sdelay $0x1  }
0x126: {  	v3 =	vadd.s32 v1, v3  }
0x127: {  	[tilespmem:s14], [sflag:$0x5] =	stream.indirect_vreg.gather [hbm4b:s4+s2], $0x80, v4, vm0, $0xb8;
	[tilespmem:$0x1E800] =	vst v63  }
0x128: {  	s16 =	simm.s32 $0x19000  }
0x129: {  	[tilespmem:s16], [sflag:$0x5] =	stream.indirect_vreg.gather [hbm4b:s5+s2], $0x80, v4, vm1, $0xb8;
	[tilespmem:$0x1E800] =	vst v63  }
0x12a: {  	s18 =	simm.s32 $0x19400  }
0x12b: {  	[tilespmem:s18], [sflag:$0x5] =	stream.indirect_vreg.gather [hbm4b:s4+s2], $0x80, v3, vm0, $0xb8;
	[tilespmem:$0x1E800] =	vst v63  }
0x12c: {  	s19 =	simm.s32 $0x19C00  }
0x12d: {  	[tilespmem:s19], [sflag:$0x5] =	stream.indirect_vreg.gather [hbm4b:s5+s2], $0x80, v3, vm1, $0xb8;
	[tilespmem:$0x1E800] =	vst v63  }
0x12e: {  	v3 =	vld [tilespmem:$0x210];
	_ =	sdelay $0x4  }
0x12f: {  	v17 =	vshrl.u32 v3, $0x3  }
0x130: {  	v4 =	vmul.u32 $0x18, v17  }
0x131: {  	v3 =	vand.u32 $0x7, v3  }
0x132: {  	v3 =	vor.u32 v3, v4  }
0x133: {  	v4 =	vperm.xlane v3, v0;
	_ =	sdelay $0x1  }
0x134: {  	v4 =	vadd.s32 v1, v4;
	_ =	sdelay $0x1  }
0x135: {  	v3 =	vperm.xlane v3, v2;
	_ =	sdelay $0x1  }
0x136: {  	s21 =	simm.s32 $0x1A000;
	v3 =	vadd.s32 v1, v3  }
0x137: {  	[tilespmem:s21], [sflag:$0x5] =	stream.indirect_vreg.gather [hbm4b:s4+s2], $0x80, v4, vm0, $0xb8;
	[tilespmem:$0x1E800] =	vst v63  }
0x138: {  	s22 =	simm.s32 $0x1A800  }
0x139: {  	[tilespmem:s22], [sflag:$0x5] =	stream.indirect_vreg.gather [hbm4b:s5+s2], $0x80, v4, vm1, $0xb8;
	[tilespmem:$0x1E800] =	vst v63  }
0x13a: {  	s24 =	simm.s32 $0x1AC00  }
0x13b: {  	[tilespmem:s24], [sflag:$0x5] =	stream.indirect_vreg.gather [hbm4b:s4+s2], $0x80, v3, vm0, $0xb8;
	[tilespmem:$0x1E800] =	vst v63  }
0x13c: {  	s26 =	simm.s32 $0x1B400  }
0x13d: {  	[tilespmem:s26], [sflag:$0x5] =	stream.indirect_vreg.gather [hbm4b:s5+s2], $0x80, v3, vm1, $0xb8;
	[tilespmem:$0x1E800] =	vst v63  }
0x13e: {  	v3 =	vld [tilespmem:$0x220];
	_ =	sdelay $0x4  }
0x13f: {  	v18 =	vshrl.u32 v3, $0x3  }
0x140: {  	v4 =	vmul.u32 $0x18, v18  }
0x141: {  	v3 =	vand.u32 $0x7, v3  }
0x142: {  	v3 =	vor.u32 v3, v4  }
0x143: {  	v4 =	vperm.xlane v3, v0;
	_ =	sdelay $0x1  }
0x144: {  	v4 =	vadd.s32 v1, v4;
	_ =	sdelay $0x1  }
0x145: {  	v3 =	vperm.xlane v3, v2;
	_ =	sdelay $0x1  }
0x146: {  	s15 =	simm.s32 $0x1B800;
	v3 =	vadd.s32 v1, v3  }
0x147: {  	[tilespmem:s15], [sflag:$0x5] =	stream.indirect_vreg.gather [hbm4b:s4+s2], $0x80, v4, vm0, $0xb8;
	[tilespmem:$0x1E800] =	vst v63  }
0x148: {  	s16 =	simm.s32 $0x1C000  }
0x149: {  	[tilespmem:s16], [sflag:$0x5] =	stream.indirect_vreg.gather [hbm4b:s5+s2], $0x80, v4, vm1, $0xb8;
	[tilespmem:$0x1E800] =	vst v63  }
0x14a: {  	s18 =	simm.s32 $0x1C400  }
0x14b: {  	[tilespmem:s18], [sflag:$0x5] =	stream.indirect_vreg.gather [hbm4b:s4+s2], $0x80, v3, vm0, $0xb8;
	[tilespmem:$0x1E800] =	vst v63  }
0x14c: {  	s19 =	simm.s32 $0x1CC00  }
0x14d: {  	[tilespmem:s19], [sflag:$0x5] =	stream.indirect_vreg.gather [hbm4b:s5+s2], $0x80, v3, vm1, $0xb8;
	[tilespmem:$0x1E800] =	vst v63  }
0x14e: {  	v3 =	vld [tilespmem:$0x230];
	_ =	sdelay $0x4  }
0x14f: {  	v19 =	vshrl.u32 v3, $0x3  }
0x150: {  	v4 =	vmul.u32 $0x18, v19  }
0x151: {  	v3 =	vand.u32 $0x7, v3  }
0x152: {  	v3 =	vor.u32 v3, v4  }
0x153: {  	v4 =	vperm.xlane v3, v0;
	_ =	sdelay $0x1  }
0x154: {  	v4 =	vadd.s32 v1, v4;
	_ =	sdelay $0x1  }
0x155: {  	v3 =	vperm.xlane v3, v2;
	_ =	sdelay $0x1  }
0x156: {  	s21 =	simm.s32 $0x1D000;
	v3 =	vadd.s32 v1, v3  }
0x157: {  	[tilespmem:s21], [sflag:$0x5] =	stream.indirect_vreg.gather [hbm4b:s4+s2], $0x80, v4, vm0, $0xb8;
	[tilespmem:$0x1E800] =	vst v63  }
0x158: {  	s22 =	simm.s32 $0x1D800  }
0x159: {  	[tilespmem:s22], [sflag:$0x5] =	stream.indirect_vreg.gather [hbm4b:s5+s2], $0x80, v4, vm1, $0xb8;
	[tilespmem:$0x1E800] =	vst v63  }
0x15a: {  	s24 =	simm.s32 $0x1DC00  }
0x15b: {  	[tilespmem:s24], [sflag:$0x5] =	stream.indirect_vreg.gather [hbm4b:s4+s2], $0x80, v3, vm0, $0xb8;
	[tilespmem:$0x1E800] =	vst v63  }
0x15c: {  	s26 =	simm.s32 $0x1E400  }
0x15d: {  	[tilespmem:s26], [sflag:$0x5] =	stream.indirect_vreg.gather [hbm4b:s5+s2], $0x80, v3, vm1, $0xb8;
	[tilespmem:$0x1E800] =	vst v63  }
0x15e: {  	_ =	swait.ge [sflag:s30], $0x6000  }
0x15f: {  	[sflag:s30] =	ssyncset.done $0x0  }
0x160: {  	s15 =	rddreg [dreg:$0x13];
	[sflag:s30] =	ssyncadd.s32 $0xFFFFA000  }
0x161: {  	[hbm4b:s15+s2] =	stream.linear.scatter [tilespmem:s28], [sflag:$0x6], $0x6000, $0x38;
	[tilespmem:$0x1E800] =	vst v63  }
0x162: {  	_ =	swait.ge [sflag:s1], $0x6000  }
0x163: {  	[sflag:s1] =	ssyncset.done $0x0  }
0x164: {  	[sflag:s1] =	ssyncadd.s32 $0xFFFFA000  }
0x165: {  	v3 =	vld [tilespmem:$0x280];
	_ =	sdelay $0x4  }
0x166: {  	v20 =	vshrl.u32 v3, $0x3  }
0x167: {  	v4 =	vmul.u32 $0x18, v20  }
0x168: {  	v3 =	vand.u32 $0x7, v3  }
0x169: {  	v3 =	vor.u32 v3, v4  }
0x16a: {  	v4 =	vperm.xlane v3, v0;
	_ =	sdelay $0x1  }
0x16b: {  	v4 =	vadd.s32 v1, v4;
	_ =	sdelay $0x1  }
0x16c: {  	v3 =	vperm.xlane v3, v2;
	_ =	sdelay $0x1  }
0x16d: {  	v3 =	vadd.s32 v1, v3  }
0x16e: {  	[tilespmem:s28], [sflag:$0x1] =	stream.indirect_vreg.gather [hbm4b:s4+s2], $0x80, v4, vm0, $0xb8;
	[tilespmem:$0x1E800] =	vst v63  }
0x16f: {  	s15 =	simm.s32 $0x1000  }
0x170: {  	[tilespmem:s15], [sflag:$0x1] =	stream.indirect_vreg.gather [hbm4b:s5+s2], $0x80, v4, vm1, $0xb8;
	[tilespmem:$0x1E800] =	vst v63  }
0x171: {  	s16 =	simm.s32 $0x1400  }
0x172: {  	[tilespmem:s16], [sflag:$0x1] =	stream.indirect_vreg.gather [hbm4b:s4+s2], $0x80, v3, vm0, $0xb8;
	[tilespmem:$0x1E800] =	vst v63  }
0x173: {  	s17 =	simm.s32 $0x1C00  }
0x174: {  	[tilespmem:s17], [sflag:$0x1] =	stream.indirect_vreg.gather [hbm4b:s5+s2], $0x80, v3, vm1, $0xb8;
	[tilespmem:$0x1E800] =	vst v63  }
0x175: {  	v3 =	vld [tilespmem:$0x290];
	_ =	sdelay $0x4  }
0x176: {  	v21 =	vshrl.u32 v3, $0x3  }
0x177: {  	v4 =	vmul.u32 $0x18, v21  }
0x178: {  	v3 =	vand.u32 $0x7, v3  }
0x179: {  	v3 =	vor.u32 v3, v4  }
0x17a: {  	v4 =	vperm.xlane v3, v0;
	_ =	sdelay $0x1  }
0x17b: {  	v4 =	vadd.s32 v1, v4;
	_ =	sdelay $0x1  }
0x17c: {  	v3 =	vperm.xlane v3, v2;
	_ =	sdelay $0x1  }
0x17d: {  	s17 =	simm.s32 $0x2000;
	v3 =	vadd.s32 v1, v3  }
0x17e: {  	[tilespmem:s17], [sflag:$0x1] =	stream.indirect_vreg.gather [hbm4b:s4+s2], $0x80, v4, vm0, $0xb8;
	[tilespmem:$0x1E800] =	vst v63  }
0x17f: {  	s18 =	simm.s32 $0x2800  }
0x180: {  	[tilespmem:s18], [sflag:$0x1] =	stream.indirect_vreg.gather [hbm4b:s5+s2], $0x80, v4, vm1, $0xb8;
	[tilespmem:$0x1E800] =	vst v63  }
0x181: {  	s19 =	simm.s32 $0x2C00  }
0x182: {  	[tilespmem:s19], [sflag:$0x1] =	stream.indirect_vreg.gather [hbm4b:s4+s2], $0x80, v3, vm0, $0xb8;
	[tilespmem:$0x1E800] =	vst v63  }
0x183: {  	s20 =	simm.s32 $0x3400  }
0x184: {  	[tilespmem:s20], [sflag:$0x1] =	stream.indirect_vreg.gather [hbm4b:s5+s2], $0x80, v3, vm1, $0xb8;
	[tilespmem:$0x1E800] =	vst v63  }
0x185: {  	v3 =	vld [tilespmem:$0x2A0];
	_ =	sdelay $0x4  }
0x186: {  	v22 =	vshrl.u32 v3, $0x3  }
0x187: {  	v4 =	vmul.u32 $0x18, v22  }
0x188: {  	v3 =	vand.u32 $0x7, v3  }
0x189: {  	v3 =	vor.u32 v3, v4  }
0x18a: {  	v4 =	vperm.xlane v3, v0;
	_ =	sdelay $0x1  }
0x18b: {  	v4 =	vadd.s32 v1, v4;
	_ =	sdelay $0x1  }
0x18c: {  	v3 =	vperm.xlane v3, v2;
	_ =	sdelay $0x1  }
0x18d: {  	s20 =	simm.s32 $0x3800;
	v3 =	vadd.s32 v1, v3  }
0x18e: {  	[tilespmem:s20], [sflag:$0x1] =	stream.indirect_vreg.gather [hbm4b:s4+s2], $0x80, v4, vm0, $0xb8;
	[tilespmem:$0x1E800] =	vst v63  }
0x18f: {  	s21 =	simm.s32 $0x4000  }
0x190: {  	[tilespmem:s21], [sflag:$0x1] =	stream.indirect_vreg.gather [hbm4b:s5+s2], $0x80, v4, vm1, $0xb8;
	[tilespmem:$0x1E800] =	vst v63  }
0x191: {  	s22 =	simm.s32 $0x4400  }
0x192: {  	[tilespmem:s22], [sflag:$0x1] =	stream.indirect_vreg.gather [hbm4b:s4+s2], $0x80, v3, vm0, $0xb8;
	[tilespmem:$0x1E800] =	vst v63  }
0x193: {  	s23 =	simm.s32 $0x4C00  }
0x194: {  	[tilespmem:s23], [sflag:$0x1] =	stream.indirect_vreg.gather [hbm4b:s5+s2], $0x80, v3, vm1, $0xb8;
	[tilespmem:$0x1E800] =	vst v63  }
0x195: {  	v3 =	vld [tilespmem:$0x2B0];
	_ =	sdelay $0x4  }
0x196: {  	v23 =	vshrl.u32 v3, $0x3  }
0x197: {  	v4 =	vmul.u32 $0x18, v23  }
0x198: {  	v3 =	vand.u32 $0x7, v3  }
0x199: {  	v3 =	vor.u32 v3, v4  }
0x19a: {  	v4 =	vperm.xlane v3, v0;
	_ =	sdelay $0x1  }
0x19b: {  	v4 =	vadd.s32 v1, v4;
	_ =	sdelay $0x1  }
0x19c: {  	v3 =	vperm.xlane v3, v2;
	_ =	sdelay $0x1  }
0x19d: {  	s23 =	simm.s32 $0x5000;
	v3 =	vadd.s32 v1, v3  }
0x19e: {  	[tilespmem:s23], [sflag:$0x1] =	stream.indirect_vreg.gather [hbm4b:s4+s2], $0x80, v4, vm0, $0xb8;
	[tilespmem:$0x1E800] =	vst v63  }
0x19f: {  	s24 =	simm.s32 $0x5800  }
0x1a0: {  	[tilespmem:s24], [sflag:$0x1] =	stream.indirect_vreg.gather [hbm4b:s5+s2], $0x80, v4, vm1, $0xb8;
	[tilespmem:$0x1E800] =	vst v63  }
0x1a1: {  	s26 =	simm.s32 $0x5C00  }
0x1a2: {  	[tilespmem:s26], [sflag:$0x1] =	stream.indirect_vreg.gather [hbm4b:s4+s2], $0x80, v3, vm0, $0xb8;
	[tilespmem:$0x1E800] =	vst v63  }
0x1a3: {  	s12 =	simm.s32 $0x6400  }
0x1a4: {  	[tilespmem:s12], [sflag:$0x1] =	stream.indirect_vreg.gather [hbm4b:s5+s2], $0x80, v3, vm1, $0xb8;
	[tilespmem:$0x1E800] =	vst v63  }
0x1a5: {  	_ =	swait.ge [sflag:s0], $0x6000  }
0x1a6: {  	[sflag:s0] =	ssyncset.done $0x0  }
0x1a7: {  	s12 =	rddreg [dreg:$0x4];
	[sflag:s0] =	ssyncadd.s32 $0xFFFFA000  }
0x1a8: {  	[hbm4b:s12+s2] =	stream.linear.scatter [tilespmem:s31], [sflag:$0x7], $0x6000, $0x38;
	[tilespmem:$0x1E800] =	vst v63  }
0x1a9: {  	_ =	swait.ge [sflag:s3], $0x6000  }
0x1aa: {  	[sflag:s3] =	ssyncset.done $0x0  }
0x1ab: {  	[sflag:s3] =	ssyncadd.s32 $0xFFFFA000  }
0x1ac: {  	v3 =	vld [tilespmem:$0x300];
	_ =	sdelay $0x4  }
0x1ad: {  	v24 =	vshrl.u32 v3, $0x3  }
0x1ae: {  	v4 =	vmul.u32 $0x18, v24  }
0x1af: {  	v3 =	vand.u32 $0x7, v3  }
0x1b0: {  	v3 =	vor.u32 v3, v4  }
0x1b1: {  	v4 =	vperm.xlane v3, v0;
	_ =	sdelay $0x1  }
0x1b2: {  	v4 =	vadd.s32 v1, v4;
	_ =	sdelay $0x1  }
0x1b3: {  	v3 =	vperm.xlane v3, v2;
	_ =	sdelay $0x1  }
0x1b4: {  	v3 =	vadd.s32 v1, v3  }
0x1b5: {  	[tilespmem:s31], [sflag:$0x2] =	stream.indirect_vreg.gather [hbm4b:s4+s2], $0x80, v4, vm0, $0xb8;
	[tilespmem:$0x1E800] =	vst v63  }
0x1b6: {  	s12 =	simm.s32 $0x7000  }
0x1b7: {  	[tilespmem:s12], [sflag:$0x2] =	stream.indirect_vreg.gather [hbm4b:s5+s2], $0x80, v4, vm1, $0xb8;
	[tilespmem:$0x1E800] =	vst v63  }
0x1b8: {  	s12 =	simm.s32 $0x7400  }
0x1b9: {  	[tilespmem:s12], [sflag:$0x2] =	stream.indirect_vreg.gather [hbm4b:s4+s2], $0x80, v3, vm0, $0xb8;
	[tilespmem:$0x1E800] =	vst v63  }
0x1ba: {  	s12 =	simm.s32 $0x7C00  }
0x1bb: {  	[tilespmem:s12], [sflag:$0x2] =	stream.indirect_vreg.gather [hbm4b:s5+s2], $0x80, v3, vm1, $0xb8;
	[tilespmem:$0x1E800] =	vst v63  }
0x1bc: {  	v3 =	vld [tilespmem:$0x310];
	_ =	sdelay $0x4  }
0x1bd: {  	v25 =	vshrl.u32 v3, $0x3  }
0x1be: {  	v4 =	vmul.u32 $0x18, v25  }
0x1bf: {  	v3 =	vand.u32 $0x7, v3  }
0x1c0: {  	v3 =	vor.u32 v3, v4  }
0x1c1: {  	v4 =	vperm.xlane v3, v0;
	_ =	sdelay $0x1  }
0x1c2: {  	v4 =	vadd.s32 v1, v4;
	_ =	sdelay $0x1  }
0x1c3: {  	v3 =	vperm.xlane v3, v2;
	_ =	sdelay $0x1  }
0x1c4: {  	s12 =	simm.s32 $0x8000;
	v3 =	vadd.s32 v1, v3  }
0x1c5: {  	[tilespmem:s12], [sflag:$0x2] =	stream.indirect_vreg.gather [hbm4b:s4+s2], $0x80, v4, vm0, $0xb8;
	[tilespmem:$0x1E800] =	vst v63  }
0x1c6: {  	s12 =	simm.s32 $0x8800  }
0x1c7: {  	[tilespmem:s12], [sflag:$0x2] =	stream.indirect_vreg.gather [hbm4b:s5+s2], $0x80, v4, vm1, $0xb8;
	[tilespmem:$0x1E800] =	vst v63  }
0x1c8: {  	s12 =	simm.s32 $0x8C00  }
0x1c9: {  	[tilespmem:s12], [sflag:$0x2] =	stream.indirect_vreg.gather [hbm4b:s4+s2], $0x80, v3, vm0, $0xb8;
	[tilespmem:$0x1E800] =	vst v63  }
0x1ca: {  	s12 =	simm.s32 $0x9400  }
0x1cb: {  	[tilespmem:s12], [sflag:$0x2] =	stream.indirect_vreg.gather [hbm4b:s5+s2], $0x80, v3, vm1, $0xb8;
	[tilespmem:$0x1E800] =	vst v63  }
0x1cc: {  	v3 =	vld [tilespmem:$0x320];
	_ =	sdelay $0x4  }
0x1cd: {  	v26 =	vshrl.u32 v3, $0x3  }
0x1ce: {  	v4 =	vmul.u32 $0x18, v26  }
0x1cf: {  	v3 =	vand.u32 $0x7, v3  }
0x1d0: {  	v3 =	vor.u32 v3, v4  }
0x1d1: {  	v4 =	vperm.xlane v3, v0;
	_ =	sdelay $0x1  }
0x1d2: {  	v4 =	vadd.s32 v1, v4;
	_ =	sdelay $0x1  }
0x1d3: {  	v3 =	vperm.xlane v3, v2;
	_ =	sdelay $0x1  }
0x1d4: {  	s12 =	simm.s32 $0x9800;
	v3 =	vadd.s32 v1, v3  }
0x1d5: {  	[tilespmem:s12], [sflag:$0x2] =	stream.indirect_vreg.gather [hbm4b:s4+s2], $0x80, v4, vm0, $0xb8;
	[tilespmem:$0x1E800] =	vst v63  }
0x1d6: {  	s12 =	simm.s32 $0xA000  }
0x1d7: {  	[tilespmem:s12], [sflag:$0x2] =	stream.indirect_vreg.gather [hbm4b:s5+s2], $0x80, v4, vm1, $0xb8;
	[tilespmem:$0x1E800] =	vst v63  }
0x1d8: {  	s12 =	simm.s32 $0xA400  }
0x1d9: {  	[tilespmem:s12], [sflag:$0x2] =	stream.indirect_vreg.gather [hbm4b:s4+s2], $0x80, v3, vm0, $0xb8;
	[tilespmem:$0x1E800] =	vst v63  }
0x1da: {  	s12 =	simm.s32 $0xAC00  }
0x1db: {  	[tilespmem:s12], [sflag:$0x2] =	stream.indirect_vreg.gather [hbm4b:s5+s2], $0x80, v3, vm1, $0xb8;
	[tilespmem:$0x1E800] =	vst v63  }
0x1dc: {  	v3 =	vld [tilespmem:$0x330];
	_ =	sdelay $0x4  }
0x1dd: {  	v27 =	vshrl.u32 v3, $0x3  }
0x1de: {  	v4 =	vmul.u32 $0x18, v27  }
0x1df: {  	v3 =	vand.u32 $0x7, v3  }
0x1e0: {  	v3 =	vor.u32 v3, v4  }
0x1e1: {  	v4 =	vperm.xlane v3, v0;
	_ =	sdelay $0x1  }
0x1e2: {  	v4 =	vadd.s32 v1, v4;
	_ =	sdelay $0x1  }
0x1e3: {  	v3 =	vperm.xlane v3, v2;
	_ =	sdelay $0x1  }
0x1e4: {  	s12 =	simm.s32 $0xB000;
	v3 =	vadd.s32 v1, v3  }
0x1e5: {  	[tilespmem:s12], [sflag:$0x2] =	stream.indirect_vreg.gather [hbm4b:s4+s2], $0x80, v4, vm0, $0xb8;
	[tilespmem:$0x1E800] =	vst v63  }
0x1e6: {  	s12 =	simm.s32 $0xB800  }
0x1e7: {  	[tilespmem:s12], [sflag:$0x2] =	stream.indirect_vreg.gather [hbm4b:s5+s2], $0x80, v4, vm1, $0xb8;
	[tilespmem:$0x1E800] =	vst v63  }
0x1e8: {  	s12 =	simm.s32 $0xBC00  }
0x1e9: {  	[tilespmem:s12], [sflag:$0x2] =	stream.indirect_vreg.gather [hbm4b:s4+s2], $0x80, v3, vm0, $0xb8;
	[tilespmem:$0x1E800] =	vst v63  }
0x1ea: {  	s12 =	simm.s32 $0xC400  }
0x1eb: {  	[tilespmem:s12], [sflag:$0x2] =	stream.indirect_vreg.gather [hbm4b:s5+s2], $0x80, v3, vm1, $0xb8;
	[tilespmem:$0x1E800] =	vst v63  }
0x1ec: {  	_ =	swait.ge [sflag:s7], $0x6000  }
0x1ed: {  	[sflag:s7] =	ssyncset.done $0x0  }
0x1ee: {  	s12 =	rddreg [dreg:$0x5];
	[sflag:s7] =	ssyncadd.s32 $0xFFFFA000  }
0x1ef: {  	[hbm4b:s12+s2] =	stream.linear.scatter [tilespmem:s8], [sflag:$0x8], $0x6000, $0x38;
	[tilespmem:$0x1E800] =	vst v63  }
0x1f0: {  	_ =	swait.ge [sflag:s25], $0x6000  }
0x1f1: {  	[sflag:s25] =	ssyncset.done $0x0  }
0x1f2: {  	[sflag:s25] =	ssyncadd.s32 $0xFFFFA000  }
0x1f3: {  	v3 =	vld [tilespmem:$0x380];
	_ =	sdelay $0x4  }
0x1f4: {  	v28 =	vshrl.u32 v3, $0x3  }
0x1f5: {  	v4 =	vmul.u32 $0x18, v28  }
0x1f6: {  	v3 =	vand.u32 $0x7, v3  }
0x1f7: {  	v3 =	vor.u32 v3, v4  }
0x1f8: {  	v4 =	vperm.xlane v3, v0;
	_ =	sdelay $0x1  }
0x1f9: {  	v4 =	vadd.s32 v1, v4;
	_ =	sdelay $0x1  }
0x1fa: {  	v3 =	vperm.xlane v3, v2;
	_ =	sdelay $0x1  }
0x1fb: {  	v3 =	vadd.s32 v1, v3  }
0x1fc: {  	[tilespmem:s8], [sflag:$0x3] =	stream.indirect_vreg.gather [hbm4b:s4+s2], $0x80, v4, vm0, $0xb8;
	[tilespmem:$0x1E800] =	vst v63  }
0x1fd: {  	s12 =	simm.s32 $0xD000  }
0x1fe: {  	[tilespmem:s12], [sflag:$0x3] =	stream.indirect_vreg.gather [hbm4b:s5+s2], $0x80, v4, vm1, $0xb8;
	[tilespmem:$0x1E800] =	vst v63  }
0x1ff: {  	s12 =	simm.s32 $0xD400  }
0x200: {  	[tilespmem:s12], [sflag:$0x3] =	stream.indirect_vreg.gather [hbm4b:s4+s2], $0x80, v3, vm0, $0xb8;
	[tilespmem:$0x1E800] =	vst v63  }
0x201: {  	s12 =	simm.s32 $0xDC00  }
0x202: {  	[tilespmem:s12], [sflag:$0x3] =	stream.indirect_vreg.gather [hbm4b:s5+s2], $0x80, v3, vm1, $0xb8;
	[tilespmem:$0x1E800] =	vst v63  }
0x203: {  	v3 =	vld [tilespmem:$0x390];
	_ =	sdelay $0x4  }
0x204: {  	v29 =	vshrl.u32 v3, $0x3  }
0x205: {  	v4 =	vmul.u32 $0x18, v29  }
0x206: {  	v3 =	vand.u32 $0x7, v3  }
0x207: {  	v3 =	vor.u32 v3, v4  }
0x208: {  	v4 =	vperm.xlane v3, v0;
	_ =	sdelay $0x1  }
0x209: {  	v4 =	vadd.s32 v1, v4;
	_ =	sdelay $0x1  }
0x20a: {  	v3 =	vperm.xlane v3, v2;
	_ =	sdelay $0x1  }
0x20b: {  	s12 =	simm.s32 $0xE000;
	v3 =	vadd.s32 v1, v3  }
0x20c: {  	[tilespmem:s12], [sflag:$0x3] =	stream.indirect_vreg.gather [hbm4b:s4+s2], $0x80, v4, vm0, $0xb8;
	[tilespmem:$0x1E800] =	vst v63  }
0x20d: {  	s12 =	simm.s32 $0xE800  }
0x20e: {  	[tilespmem:s12], [sflag:$0x3] =	stream.indirect_vreg.gather [hbm4b:s5+s2], $0x80, v4, vm1, $0xb8;
	[tilespmem:$0x1E800] =	vst v63  }
0x20f: {  	s12 =	simm.s32 $0xEC00  }
0x210: {  	[tilespmem:s12], [sflag:$0x3] =	stream.indirect_vreg.gather [hbm4b:s4+s2], $0x80, v3, vm0, $0xb8;
	[tilespmem:$0x1E800] =	vst v63  }
0x211: {  	s12 =	simm.s32 $0xF400  }
0x212: {  	[tilespmem:s12], [sflag:$0x3] =	stream.indirect_vreg.gather [hbm4b:s5+s2], $0x80, v3, vm1, $0xb8;
	[tilespmem:$0x1E800] =	vst v63  }
0x213: {  	v3 =	vld [tilespmem:$0x3A0];
	_ =	sdelay $0x4  }
0x214: {  	v30 =	vshrl.u32 v3, $0x3  }
0x215: {  	v4 =	vmul.u32 $0x18, v30  }
0x216: {  	v3 =	vand.u32 $0x7, v3  }
0x217: {  	v3 =	vor.u32 v3, v4  }
0x218: {  	v4 =	vperm.xlane v3, v0;
	_ =	sdelay $0x1  }
0x219: {  	v4 =	vadd.s32 v1, v4;
	_ =	sdelay $0x1  }
0x21a: {  	v3 =	vperm.xlane v3, v2;
	_ =	sdelay $0x1  }
0x21b: {  	s12 =	simm.s32 $0xF800;
	v3 =	vadd.s32 v1, v3  }
0x21c: {  	[tilespmem:s12], [sflag:$0x3] =	stream.indirect_vreg.gather [hbm4b:s4+s2], $0x80, v4, vm0, $0xb8;
	[tilespmem:$0x1E800] =	vst v63  }
0x21d: {  	s12 =	simm.s32 $0x10000  }
0x21e: {  	[tilespmem:s12], [sflag:$0x3] =	stream.indirect_vreg.gather [hbm4b:s5+s2], $0x80, v4, vm1, $0xb8;
	[tilespmem:$0x1E800] =	vst v63  }
0x21f: {  	s12 =	simm.s32 $0x10400  }
0x220: {  	[tilespmem:s12], [sflag:$0x3] =	stream.indirect_vreg.gather [hbm4b:s4+s2], $0x80, v3, vm0, $0xb8;
	[tilespmem:$0x1E800] =	vst v63  }
0x221: {  	s12 =	simm.s32 $0x10C00  }
0x222: {  	[tilespmem:s12], [sflag:$0x3] =	stream.indirect_vreg.gather [hbm4b:s5+s2], $0x80, v3, vm1, $0xb8;
	[tilespmem:$0x1E800] =	vst v63  }
0x223: {  	v3 =	vld [tilespmem:$0x3B0];
	_ =	sdelay $0x4  }
0x224: {  	v31 =	vshrl.u32 v3, $0x3  }
0x225: {  	v4 =	vmul.u32 $0x18, v31  }
0x226: {  	v3 =	vand.u32 $0x7, v3  }
0x227: {  	v3 =	vor.u32 v3, v4  }
0x228: {  	v4 =	vperm.xlane v3, v0;
	_ =	sdelay $0x1  }
0x229: {  	v4 =	vadd.s32 v1, v4;
	_ =	sdelay $0x1  }
0x22a: {  	v3 =	vperm.xlane v3, v2;
	_ =	sdelay $0x1  }
0x22b: {  	s12 =	simm.s32 $0x11000;
	v3 =	vadd.s32 v1, v3  }
0x22c: {  	[tilespmem:s12], [sflag:$0x3] =	stream.indirect_vreg.gather [hbm4b:s4+s2], $0x80, v4, vm0, $0xb8;
	[tilespmem:$0x1E800] =	vst v63  }
0x22d: {  	s12 =	simm.s32 $0x11800  }
0x22e: {  	[tilespmem:s12], [sflag:$0x3] =	stream.indirect_vreg.gather [hbm4b:s5+s2], $0x80, v4, vm1, $0xb8;
	[tilespmem:$0x1E800] =	vst v63  }
0x22f: {  	s12 =	simm.s32 $0x11C00  }
0x230: {  	[tilespmem:s12], [sflag:$0x3] =	stream.indirect_vreg.gather [hbm4b:s4+s2], $0x80, v3, vm0, $0xb8;
	[tilespmem:$0x1E800] =	vst v63  }
0x231: {  	s12 =	simm.s32 $0x12400  }
0x232: {  	[tilespmem:s12], [sflag:$0x3] =	stream.indirect_vreg.gather [hbm4b:s5+s2], $0x80, v3, vm1, $0xb8;
	[tilespmem:$0x1E800] =	vst v63  }
0x233: {  	_ =	swait.ge [sflag:s29], $0x6000  }
0x234: {  	[sflag:s29] =	ssyncset.done $0x0  }
0x235: {  	s12 =	rddreg [dreg:$0x6];
	[sflag:s29] =	ssyncadd.s32 $0xFFFFA000  }
0x236: {  	[hbm4b:s12+s2] =	stream.linear.scatter [tilespmem:s13], [sflag:$0x9], $0x6000, $0x38;
	[tilespmem:$0x1E800] =	vst v63  }
0x237: {  	_ =	swait.ge [sflag:s9], $0x6000  }
0x238: {  	[sflag:s9] =	ssyncset.done $0x0  }
0x239: {  	[sflag:s9] =	ssyncadd.s32 $0xFFFFA000  }
0x23a: {  	v3 =	vld [tilespmem:$0x400];
	_ =	sdelay $0x4  }
0x23b: {  	v32 =	vshrl.u32 v3, $0x3  }
0x23c: {  	v4 =	vmul.u32 $0x18, v32  }
0x23d: {  	v3 =	vand.u32 $0x7, v3  }
0x23e: {  	v3 =	vor.u32 v3, v4  }
0x23f: {  	v4 =	vperm.xlane v3, v0;
	_ =	sdelay $0x1  }
0x240: {  	v4 =	vadd.s32 v1, v4;
	_ =	sdelay $0x1  }
0x241: {  	v3 =	vperm.xlane v3, v2;
	_ =	sdelay $0x1  }
0x242: {  	v3 =	vadd.s32 v1, v3  }
0x243: {  	[tilespmem:s13], [sflag:$0x4] =	stream.indirect_vreg.gather [hbm4b:s4+s2], $0x80, v4, vm0, $0xb8;
	[tilespmem:$0x1E800] =	vst v63  }
0x244: {  	s12 =	simm.s32 $0x13000  }
0x245: {  	[tilespmem:s12], [sflag:$0x4] =	stream.indirect_vreg.gather [hbm4b:s5+s2], $0x80, v4, vm1, $0xb8;
	[tilespmem:$0x1E800] =	vst v63  }
0x246: {  	s12 =	simm.s32 $0x13400  }
0x247: {  	[tilespmem:s12], [sflag:$0x4] =	stream.indirect_vreg.gather [hbm4b:s4+s2], $0x80, v3, vm0, $0xb8;
	[tilespmem:$0x1E800] =	vst v63  }
0x248: {  	s12 =	simm.s32 $0x13C00  }
0x249: {  	[tilespmem:s12], [sflag:$0x4] =	stream.indirect_vreg.gather [hbm4b:s5+s2], $0x80, v3, vm1, $0xb8;
	[tilespmem:$0x1E800] =	vst v63  }
0x24a: {  	v3 =	vld [tilespmem:$0x410];
	_ =	sdelay $0x4  }
0x24b: {  	v33 =	vshrl.u32 v3, $0x3  }
0x24c: {  	v4 =	vmul.u32 $0x18, v33  }
0x24d: {  	v3 =	vand.u32 $0x7, v3  }
0x24e: {  	v3 =	vor.u32 v3, v4  }
0x24f: {  	v4 =	vperm.xlane v3, v0;
	_ =	sdelay $0x1  }
0x250: {  	v4 =	vadd.s32 v1, v4;
	_ =	sdelay $0x1  }
0x251: {  	v3 =	vperm.xlane v3, v2;
	_ =	sdelay $0x1  }
0x252: {  	s12 =	simm.s32 $0x14000;
	v3 =	vadd.s32 v1, v3  }
0x253: {  	[tilespmem:s12], [sflag:$0x4] =	stream.indirect_vreg.gather [hbm4b:s4+s2], $0x80, v4, vm0, $0xb8;
	[tilespmem:$0x1E800] =	vst v63  }
0x254: {  	s12 =	simm.s32 $0x14800  }
0x255: {  	[tilespmem:s12], [sflag:$0x4] =	stream.indirect_vreg.gather [hbm4b:s5+s2], $0x80, v4, vm1, $0xb8;
	[tilespmem:$0x1E800] =	vst v63  }
0x256: {  	s12 =	simm.s32 $0x14C00  }
0x257: {  	[tilespmem:s12], [sflag:$0x4] =	stream.indirect_vreg.gather [hbm4b:s4+s2], $0x80, v3, vm0, $0xb8;
	[tilespmem:$0x1E800] =	vst v63  }
0x258: {  	s12 =	simm.s32 $0x15400  }
0x259: {  	[tilespmem:s12], [sflag:$0x4] =	stream.indirect_vreg.gather [hbm4b:s5+s2], $0x80, v3, vm1, $0xb8;
	[tilespmem:$0x1E800] =	vst v63  }
0x25a: {  	v3 =	vld [tilespmem:$0x420];
	_ =	sdelay $0x4  }
0x25b: {  	v34 =	vshrl.u32 v3, $0x3  }
0x25c: {  	v4 =	vmul.u32 $0x18, v34  }
0x25d: {  	v3 =	vand.u32 $0x7, v3  }
0x25e: {  	v3 =	vor.u32 v3, v4  }
0x25f: {  	v4 =	vperm.xlane v3, v0;
	_ =	sdelay $0x1  }
0x260: {  	v4 =	vadd.s32 v1, v4;
	_ =	sdelay $0x1  }
0x261: {  	v3 =	vperm.xlane v3, v2;
	_ =	sdelay $0x1  }
0x262: {  	s12 =	simm.s32 $0x15800;
	v3 =	vadd.s32 v1, v3  }
0x263: {  	[tilespmem:s12], [sflag:$0x4] =	stream.indirect_vreg.gather [hbm4b:s4+s2], $0x80, v4, vm0, $0xb8;
	[tilespmem:$0x1E800] =	vst v63  }
0x264: {  	s12 =	simm.s32 $0x16000  }
0x265: {  	[tilespmem:s12], [sflag:$0x4] =	stream.indirect_vreg.gather [hbm4b:s5+s2], $0x80, v4, vm1, $0xb8;
	[tilespmem:$0x1E800] =	vst v63  }
0x266: {  	s12 =	simm.s32 $0x16400  }
0x267: {  	[tilespmem:s12], [sflag:$0x4] =	stream.indirect_vreg.gather [hbm4b:s4+s2], $0x80, v3, vm0, $0xb8;
	[tilespmem:$0x1E800] =	vst v63  }
0x268: {  	s12 =	simm.s32 $0x16C00  }
0x269: {  	[tilespmem:s12], [sflag:$0x4] =	stream.indirect_vreg.gather [hbm4b:s5+s2], $0x80, v3, vm1, $0xb8;
	[tilespmem:$0x1E800] =	vst v63  }
0x26a: {  	v3 =	vld [tilespmem:$0x430];
	_ =	sdelay $0x4  }
0x26b: {  	v35 =	vshrl.u32 v3, $0x3  }
0x26c: {  	v4 =	vmul.u32 $0x18, v35  }
0x26d: {  	v3 =	vand.u32 $0x7, v3  }
0x26e: {  	v3 =	vor.u32 v3, v4  }
0x26f: {  	v4 =	vperm.xlane v3, v0;
	_ =	sdelay $0x1  }
0x270: {  	v4 =	vadd.s32 v1, v4;
	_ =	sdelay $0x1  }
0x271: {  	v3 =	vperm.xlane v3, v2;
	_ =	sdelay $0x1  }
0x272: {  	s12 =	simm.s32 $0x17000;
	v3 =	vadd.s32 v1, v3  }
0x273: {  	[tilespmem:s12], [sflag:$0x4] =	stream.indirect_vreg.gather [hbm4b:s4+s2], $0x80, v4, vm0, $0xb8;
	[tilespmem:$0x1E800] =	vst v63  }
0x274: {  	s12 =	simm.s32 $0x17800  }
0x275: {  	[tilespmem:s12], [sflag:$0x4] =	stream.indirect_vreg.gather [hbm4b:s5+s2], $0x80, v4, vm1, $0xb8;
	[tilespmem:$0x1E800] =	vst v63  }
0x276: {  	s12 =	simm.s32 $0x17C00  }
0x277: {  	[tilespmem:s12], [sflag:$0x4] =	stream.indirect_vreg.gather [hbm4b:s4+s2], $0x80, v3, vm0, $0xb8;
	[tilespmem:$0x1E800] =	vst v63  }
0x278: {  	s12 =	simm.s32 $0x18400  }
0x279: {  	[tilespmem:s12], [sflag:$0x4] =	stream.indirect_vreg.gather [hbm4b:s5+s2], $0x80, v3, vm1, $0xb8;
	[tilespmem:$0x1E800] =	vst v63  }
0x27a: {  	_ =	swait.ge [sflag:s10], $0x6000  }
0x27b: {  	[sflag:s10] =	ssyncset.done $0x0  }
0x27c: {  	s12 =	rddreg [dreg:$0x7];
	[sflag:s10] =	ssyncadd.s32 $0xFFFFA000  }
0x27d: {  	[hbm4b:s12+s2] =	stream.linear.scatter [tilespmem:s14], [sflag:$0xA], $0x6000, $0x38;
	[tilespmem:$0x1E800] =	vst v63  }
0x27e: {  	_ =	swait.ge [sflag:s11], $0x6000  }
0x27f: {  	[sflag:s11] =	ssyncset.done $0x0  }
0x280: {  	[sflag:s11] =	ssyncadd.s32 $0xFFFFA000  }
0x281: {  	v3 =	vld [tilespmem:$0x480];
	_ =	sdelay $0x4  }
0x282: {  	v36 =	vshrl.u32 v3, $0x3  }
0x283: {  	v4 =	vmul.u32 $0x18, v36  }
0x284: {  	v3 =	vand.u32 $0x7, v3  }
0x285: {  	v3 =	vor.u32 v3, v4  }
0x286: {  	v4 =	vperm.xlane v3, v0;
	_ =	sdelay $0x1  }
0x287: {  	v4 =	vadd.s32 v1, v4;
	_ =	sdelay $0x1  }
0x288: {  	v3 =	vperm.xlane v3, v2;
	_ =	sdelay $0x1  }
0x289: {  	v3 =	vadd.s32 v1, v3  }
0x28a: {  	[tilespmem:s14], [sflag:$0x5] =	stream.indirect_vreg.gather [hbm4b:s4+s2], $0x80, v4, vm0, $0xb8;
	[tilespmem:$0x1E800] =	vst v63  }
0x28b: {  	s12 =	simm.s32 $0x19000  }
0x28c: {  	[tilespmem:s12], [sflag:$0x5] =	stream.indirect_vreg.gather [hbm4b:s5+s2], $0x80, v4, vm1, $0xb8;
	[tilespmem:$0x1E800] =	vst v63  }
0x28d: {  	s12 =	simm.s32 $0x19400  }
0x28e: {  	[tilespmem:s12], [sflag:$0x5] =	stream.indirect_vreg.gather [hbm4b:s4+s2], $0x80, v3, vm0, $0xb8;
	[tilespmem:$0x1E800] =	vst v63  }
0x28f: {  	s12 =	simm.s32 $0x19C00  }
0x290: {  	[tilespmem:s12], [sflag:$0x5] =	stream.indirect_vreg.gather [hbm4b:s5+s2], $0x80, v3, vm1, $0xb8;
	[tilespmem:$0x1E800] =	vst v63  }
0x291: {  	v3 =	vld [tilespmem:$0x490];
	_ =	sdelay $0x4  }
0x292: {  	v37 =	vshrl.u32 v3, $0x3  }
0x293: {  	v4 =	vmul.u32 $0x18, v37  }
0x294: {  	v3 =	vand.u32 $0x7, v3  }
0x295: {  	v3 =	vor.u32 v3, v4  }
0x296: {  	v4 =	vperm.xlane v3, v0;
	_ =	sdelay $0x1  }
0x297: {  	v4 =	vadd.s32 v1, v4;
	_ =	sdelay $0x1  }
0x298: {  	v3 =	vperm.xlane v3, v2;
	_ =	sdelay $0x1  }
0x299: {  	s12 =	simm.s32 $0x1A000;
	v3 =	vadd.s32 v1, v3  }
0x29a: {  	[tilespmem:s12], [sflag:$0x5] =	stream.indirect_vreg.gather [hbm4b:s4+s2], $0x80, v4, vm0, $0xb8;
	[tilespmem:$0x1E800] =	vst v63  }
0x29b: {  	s12 =	simm.s32 $0x1A800  }
0x29c: {  	[tilespmem:s12], [sflag:$0x5] =	stream.indirect_vreg.gather [hbm4b:s5+s2], $0x80, v4, vm1, $0xb8;
	[tilespmem:$0x1E800] =	vst v63  }
0x29d: {  	s12 =	simm.s32 $0x1AC00  }
0x29e: {  	[tilespmem:s12], [sflag:$0x5] =	stream.indirect_vreg.gather [hbm4b:s4+s2], $0x80, v3, vm0, $0xb8;
	[tilespmem:$0x1E800] =	vst v63  }
0x29f: {  	s12 =	simm.s32 $0x1B400  }
0x2a0: {  	[tilespmem:s12], [sflag:$0x5] =	stream.indirect_vreg.gather [hbm4b:s5+s2], $0x80, v3, vm1, $0xb8;
	[tilespmem:$0x1E800] =	vst v63  }
0x2a1: {  	v3 =	vld [tilespmem:$0x4A0];
	_ =	sdelay $0x4  }
0x2a2: {  	v38 =	vshrl.u32 v3, $0x3  }
0x2a3: {  	v4 =	vmul.u32 $0x18, v38  }
0x2a4: {  	v3 =	vand.u32 $0x7, v3  }
0x2a5: {  	v3 =	vor.u32 v3, v4  }
0x2a6: {  	v4 =	vperm.xlane v3, v0;
	_ =	sdelay $0x1  }
0x2a7: {  	v4 =	vadd.s32 v1, v4;
	_ =	sdelay $0x1  }
0x2a8: {  	v3 =	vperm.xlane v3, v2;
	_ =	sdelay $0x1  }
0x2a9: {  	s12 =	simm.s32 $0x1B800;
	v3 =	vadd.s32 v1, v3  }
0x2aa: {  	[tilespmem:s12], [sflag:$0x5] =	stream.indirect_vreg.gather [hbm4b:s4+s2], $0x80, v4, vm0, $0xb8;
	[tilespmem:$0x1E800] =	vst v63  }
0x2ab: {  	s12 =	simm.s32 $0x1C000  }
0x2ac: {  	[tilespmem:s12], [sflag:$0x5] =	stream.indirect_vreg.gather [hbm4b:s5+s2], $0x80, v4, vm1, $0xb8;
	[tilespmem:$0x1E800] =	vst v63  }
0x2ad: {  	s12 =	simm.s32 $0x1C400  }
0x2ae: {  	[tilespmem:s12], [sflag:$0x5] =	stream.indirect_vreg.gather [hbm4b:s4+s2], $0x80, v3, vm0, $0xb8;
	[tilespmem:$0x1E800] =	vst v63  }
0x2af: {  	s12 =	simm.s32 $0x1CC00  }
0x2b0: {  	[tilespmem:s12], [sflag:$0x5] =	stream.indirect_vreg.gather [hbm4b:s5+s2], $0x80, v3, vm1, $0xb8;
	[tilespmem:$0x1E800] =	vst v63  }
0x2b1: {  	v3 =	vld [tilespmem:$0x4B0];
	_ =	sdelay $0x4  }
0x2b2: {  	v39 =	vshrl.u32 v3, $0x3  }
0x2b3: {  	v4 =	vmul.u32 $0x18, v39  }
0x2b4: {  	v3 =	vand.u32 $0x7, v3  }
0x2b5: {  	v3 =	vor.u32 v3, v4  }
0x2b6: {  	v4 =	vperm.xlane v3, v0;
	_ =	sdelay $0x1  }
0x2b7: {  	v4 =	vadd.s32 v1, v4;
	_ =	sdelay $0x1  }
0x2b8: {  	v3 =	vperm.xlane v3, v2;
	_ =	sdelay $0x1  }
0x2b9: {  	s12 =	simm.s32 $0x1D000;
	v3 =	vadd.s32 v1, v3  }
0x2ba: {  	[tilespmem:s12], [sflag:$0x5] =	stream.indirect_vreg.gather [hbm4b:s4+s2], $0x80, v4, vm0, $0xb8;
	[tilespmem:$0x1E800] =	vst v63  }
0x2bb: {  	s12 =	simm.s32 $0x1D800  }
0x2bc: {  	[tilespmem:s12], [sflag:$0x5] =	stream.indirect_vreg.gather [hbm4b:s5+s2], $0x80, v4, vm1, $0xb8;
	[tilespmem:$0x1E800] =	vst v63  }
0x2bd: {  	s12 =	simm.s32 $0x1DC00  }
0x2be: {  	[tilespmem:s12], [sflag:$0x5] =	stream.indirect_vreg.gather [hbm4b:s4+s2], $0x80, v3, vm0, $0xb8;
	[tilespmem:$0x1E800] =	vst v63  }
0x2bf: {  	s12 =	simm.s32 $0x1E400  }
0x2c0: {  	[tilespmem:s12], [sflag:$0x5] =	stream.indirect_vreg.gather [hbm4b:s5+s2], $0x80, v3, vm1, $0xb8;
	[tilespmem:$0x1E800] =	vst v63  }
0x2c1: {  	_ =	swait.ge [sflag:s30], $0x6000  }
0x2c2: {  	[sflag:s30] =	ssyncset.done $0x0  }
0x2c3: {  	s12 =	rddreg [dreg:$0x8];
	[sflag:s30] =	ssyncadd.s32 $0xFFFFA000  }
0x2c4: {  	[hbm4b:s12+s2] =	stream.linear.scatter [tilespmem:s28], [sflag:$0x6], $0x6000, $0x38;
	[tilespmem:$0x1E800] =	vst v63  }
0x2c5: {  	_ =	swait.ge [sflag:s1], $0x6000  }
0x2c6: {  	[sflag:s1] =	ssyncset.done $0x0  }
0x2c7: {  	[sflag:s1] =	ssyncadd.s32 $0xFFFFA000  }
0x2c8: {  	v3 =	vld [tilespmem:$0x500];
	_ =	sdelay $0x4  }
0x2c9: {  	v40 =	vshrl.u32 v3, $0x3  }
0x2ca: {  	v4 =	vmul.u32 $0x18, v40  }
0x2cb: {  	v3 =	vand.u32 $0x7, v3  }
0x2cc: {  	v3 =	vor.u32 v3, v4  }
0x2cd: {  	v4 =	vperm.xlane v3, v0;
	_ =	sdelay $0x1  }
0x2ce: {  	v4 =	vadd.s32 v1, v4;
	_ =	sdelay $0x1  }
0x2cf: {  	v3 =	vperm.xlane v3, v2;
	_ =	sdelay $0x1  }
0x2d0: {  	v3 =	vadd.s32 v1, v3  }
0x2d1: {  	[tilespmem:s28], [sflag:$0x1] =	stream.indirect_vreg.gather [hbm4b:s4+s2], $0x80, v4, vm0, $0xb8;
	[tilespmem:$0x1E800] =	vst v63  }
0x2d2: {  	_ = 	snop  }
0x2d3: {  	[tilespmem:s15], [sflag:$0x1] =	stream.indirect_vreg.gather [hbm4b:s5+s2], $0x80, v4, vm1, $0xb8;
	[tilespmem:$0x1E800] =	vst v63  }
0x2d4: {  	_ = 	snop  }
0x2d5: {  	[tilespmem:s16], [sflag:$0x1] =	stream.indirect_vreg.gather [hbm4b:s4+s2], $0x80, v3, vm0, $0xb8;
	[tilespmem:$0x1E800] =	vst v63  }
0x2d6: {  	s12 =	simm.s32 $0x1C00  }
0x2d7: {  	[tilespmem:s12], [sflag:$0x1] =	stream.indirect_vreg.gather [hbm4b:s5+s2], $0x80, v3, vm1, $0xb8;
	[tilespmem:$0x1E800] =	vst v63  }
0x2d8: {  	v3 =	vld [tilespmem:$0x510];
	_ =	sdelay $0x4  }
0x2d9: {  	v41 =	vshrl.u32 v3, $0x3  }
0x2da: {  	v4 =	vmul.u32 $0x18, v41  }
0x2db: {  	v3 =	vand.u32 $0x7, v3  }
0x2dc: {  	v3 =	vor.u32 v3, v4  }
0x2dd: {  	v4 =	vperm.xlane v3, v0;
	_ =	sdelay $0x1  }
0x2de: {  	v4 =	vadd.s32 v1, v4;
	_ =	sdelay $0x1  }
0x2df: {  	v3 =	vperm.xlane v3, v2;
	_ =	sdelay $0x1  }
0x2e0: {  	v3 =	vadd.s32 v1, v3  }
0x2e1: {  	[tilespmem:s17], [sflag:$0x1] =	stream.indirect_vreg.gather [hbm4b:s4+s2], $0x80, v4, vm0, $0xb8;
	[tilespmem:$0x1E800] =	vst v63  }
0x2e2: {  	_ = 	snop  }
0x2e3: {  	[tilespmem:s18], [sflag:$0x1] =	stream.indirect_vreg.gather [hbm4b:s5+s2], $0x80, v4, vm1, $0xb8;
	[tilespmem:$0x1E800] =	vst v63  }
0x2e4: {  	_ = 	snop  }
0x2e5: {  	[tilespmem:s19], [sflag:$0x1] =	stream.indirect_vreg.gather [hbm4b:s4+s2], $0x80, v3, vm0, $0xb8;
	[tilespmem:$0x1E800] =	vst v63  }
0x2e6: {  	s12 =	simm.s32 $0x3400  }
0x2e7: {  	[tilespmem:s12], [sflag:$0x1] =	stream.indirect_vreg.gather [hbm4b:s5+s2], $0x80, v3, vm1, $0xb8;
	[tilespmem:$0x1E800] =	vst v63  }
0x2e8: {  	v3 =	vld [tilespmem:$0x520];
	_ =	sdelay $0x4  }
0x2e9: {  	v42 =	vshrl.u32 v3, $0x3  }
0x2ea: {  	v4 =	vmul.u32 $0x18, v42  }
0x2eb: {  	v3 =	vand.u32 $0x7, v3  }
0x2ec: {  	v3 =	vor.u32 v3, v4  }
0x2ed: {  	v4 =	vperm.xlane v3, v0;
	_ =	sdelay $0x1  }
0x2ee: {  	v4 =	vadd.s32 v1, v4;
	_ =	sdelay $0x1  }
0x2ef: {  	v3 =	vperm.xlane v3, v2;
	_ =	sdelay $0x1  }
0x2f0: {  	v3 =	vadd.s32 v1, v3  }
0x2f1: {  	[tilespmem:s20], [sflag:$0x1] =	stream.indirect_vreg.gather [hbm4b:s4+s2], $0x80, v4, vm0, $0xb8;
	[tilespmem:$0x1E800] =	vst v63  }
0x2f2: {  	_ = 	snop  }
0x2f3: {  	[tilespmem:s21], [sflag:$0x1] =	stream.indirect_vreg.gather [hbm4b:s5+s2], $0x80, v4, vm1, $0xb8;
	[tilespmem:$0x1E800] =	vst v63  }
0x2f4: {  	_ = 	snop  }
0x2f5: {  	[tilespmem:s22], [sflag:$0x1] =	stream.indirect_vreg.gather [hbm4b:s4+s2], $0x80, v3, vm0, $0xb8;
	[tilespmem:$0x1E800] =	vst v63  }
0x2f6: {  	s12 =	simm.s32 $0x4C00  }
0x2f7: {  	[tilespmem:s12], [sflag:$0x1] =	stream.indirect_vreg.gather [hbm4b:s5+s2], $0x80, v3, vm1, $0xb8;
	[tilespmem:$0x1E800] =	vst v63  }
0x2f8: {  	v3 =	vld [tilespmem:$0x530];
	_ =	sdelay $0x4  }
0x2f9: {  	v43 =	vshrl.u32 v3, $0x3  }
0x2fa: {  	v4 =	vmul.u32 $0x18, v43  }
0x2fb: {  	v3 =	vand.u32 $0x7, v3  }
0x2fc: {  	v3 =	vor.u32 v3, v4  }
0x2fd: {  	v4 =	vperm.xlane v3, v0;
	_ =	sdelay $0x1  }
0x2fe: {  	v4 =	vadd.s32 v1, v4;
	_ =	sdelay $0x1  }
0x2ff: {  	v3 =	vperm.xlane v3, v2;
	_ =	sdelay $0x1  }
0x300: {  	v3 =	vadd.s32 v1, v3  }
0x301: {  	[tilespmem:s23], [sflag:$0x1] =	stream.indirect_vreg.gather [hbm4b:s4+s2], $0x80, v4, vm0, $0xb8;
	[tilespmem:$0x1E800] =	vst v63  }
0x302: {  	_ = 	snop  }
0x303: {  	[tilespmem:s24], [sflag:$0x1] =	stream.indirect_vreg.gather [hbm4b:s5+s2], $0x80, v4, vm1, $0xb8;
	[tilespmem:$0x1E800] =	vst v63  }
0x304: {  	_ = 	snop  }
0x305: {  	[tilespmem:s26], [sflag:$0x1] =	stream.indirect_vreg.gather [hbm4b:s4+s2], $0x80, v3, vm0, $0xb8;
	[tilespmem:$0x1E800] =	vst v63  }
0x306: {  	s12 =	simm.s32 $0x6400  }
0x307: {  	[tilespmem:s12], [sflag:$0x1] =	stream.indirect_vreg.gather [hbm4b:s5+s2], $0x80, v3, vm1, $0xb8;
	[tilespmem:$0x1E800] =	vst v63  }
0x308: {  	_ =	swait.ge [sflag:s0], $0x6000  }
0x309: {  	[sflag:s0] =	ssyncset.done $0x0  }
0x30a: {  	s12 =	rddreg [dreg:$0x9];
	[sflag:s0] =	ssyncadd.s32 $0xFFFFA000  }
0x30b: {  	[hbm4b:s12+s2] =	stream.linear.scatter [tilespmem:s31], [sflag:$0x7], $0x6000, $0x38;
	[tilespmem:$0x1E800] =	vst v63  }
0x30c: {  	_ =	swait.ge [sflag:s3], $0x6000  }
0x30d: {  	[sflag:s3] =	ssyncset.done $0x0  }
0x30e: {  	[sflag:s3] =	ssyncadd.s32 $0xFFFFA000  }
0x30f: {  	v3 =	vld [tilespmem:$0x580];
	_ =	sdelay $0x4  }
0x310: {  	v44 =	vshrl.u32 v3, $0x3  }
0x311: {  	v4 =	vmul.u32 $0x18, v44  }
0x312: {  	v3 =	vand.u32 $0x7, v3  }
0x313: {  	v3 =	vor.u32 v3, v4  }
0x314: {  	v4 =	vperm.xlane v3, v0;
	_ =	sdelay $0x1  }
0x315: {  	v4 =	vadd.s32 v1, v4;
	_ =	sdelay $0x1  }
0x316: {  	v3 =	vperm.xlane v3, v2;
	_ =	sdelay $0x1  }
0x317: {  	v3 =	vadd.s32 v1, v3  }
0x318: {  	[tilespmem:s31], [sflag:$0x2] =	stream.indirect_vreg.gather [hbm4b:s4+s2], $0x80, v4, vm0, $0xb8;
	[tilespmem:$0x1E800] =	vst v63  }
0x319: {  	s12 =	simm.s32 $0x7000  }
0x31a: {  	[tilespmem:s12], [sflag:$0x2] =	stream.indirect_vreg.gather [hbm4b:s5+s2], $0x80, v4, vm1, $0xb8;
	[tilespmem:$0x1E800] =	vst v63  }
0x31b: {  	s12 =	simm.s32 $0x7400  }
0x31c: {  	[tilespmem:s12], [sflag:$0x2] =	stream.indirect_vreg.gather [hbm4b:s4+s2], $0x80, v3, vm0, $0xb8;
	[tilespmem:$0x1E800] =	vst v63  }
0x31d: {  	s12 =	simm.s32 $0x7C00  }
0x31e: {  	[tilespmem:s12], [sflag:$0x2] =	stream.indirect_vreg.gather [hbm4b:s5+s2], $0x80, v3, vm1, $0xb8;
	[tilespmem:$0x1E800] =	vst v63  }
0x31f: {  	v3 =	vld [tilespmem:$0x590];
	_ =	sdelay $0x4  }
0x320: {  	v45 =	vshrl.u32 v3, $0x3  }
0x321: {  	v4 =	vmul.u32 $0x18, v45  }
0x322: {  	v3 =	vand.u32 $0x7, v3  }
0x323: {  	v3 =	vor.u32 v3, v4  }
0x324: {  	v4 =	vperm.xlane v3, v0;
	_ =	sdelay $0x1  }
0x325: {  	v4 =	vadd.s32 v1, v4;
	_ =	sdelay $0x1  }
0x326: {  	v3 =	vperm.xlane v3, v2;
	_ =	sdelay $0x1  }
0x327: {  	s12 =	simm.s32 $0x8000;
	v3 =	vadd.s32 v1, v3  }
0x328: {  	[tilespmem:s12], [sflag:$0x2] =	stream.indirect_vreg.gather [hbm4b:s4+s2], $0x80, v4, vm0, $0xb8;
	[tilespmem:$0x1E800] =	vst v63  }
0x329: {  	s12 =	simm.s32 $0x8800  }
0x32a: {  	[tilespmem:s12], [sflag:$0x2] =	stream.indirect_vreg.gather [hbm4b:s5+s2], $0x80, v4, vm1, $0xb8;
	[tilespmem:$0x1E800] =	vst v63  }
0x32b: {  	s12 =	simm.s32 $0x8C00  }
0x32c: {  	[tilespmem:s12], [sflag:$0x2] =	stream.indirect_vreg.gather [hbm4b:s4+s2], $0x80, v3, vm0, $0xb8;
	[tilespmem:$0x1E800] =	vst v63  }
0x32d: {  	s12 =	simm.s32 $0x9400  }
0x32e: {  	[tilespmem:s12], [sflag:$0x2] =	stream.indirect_vreg.gather [hbm4b:s5+s2], $0x80, v3, vm1, $0xb8;
	[tilespmem:$0x1E800] =	vst v63  }
0x32f: {  	v3 =	vld [tilespmem:$0x5A0];
	_ =	sdelay $0x4  }
0x330: {  	v46 =	vshrl.u32 v3, $0x3  }
0x331: {  	v4 =	vmul.u32 $0x18, v46  }
0x332: {  	v3 =	vand.u32 $0x7, v3  }
0x333: {  	v3 =	vor.u32 v3, v4  }
0x334: {  	v4 =	vperm.xlane v3, v0;
	_ =	sdelay $0x1  }
0x335: {  	v4 =	vadd.s32 v1, v4;
	_ =	sdelay $0x1  }
0x336: {  	v3 =	vperm.xlane v3, v2;
	_ =	sdelay $0x1  }
0x337: {  	s12 =	simm.s32 $0x9800;
	v3 =	vadd.s32 v1, v3  }
0x338: {  	[tilespmem:s12], [sflag:$0x2] =	stream.indirect_vreg.gather [hbm4b:s4+s2], $0x80, v4, vm0, $0xb8;
	[tilespmem:$0x1E800] =	vst v63  }
0x339: {  	s12 =	simm.s32 $0xA000  }
0x33a: {  	[tilespmem:s12], [sflag:$0x2] =	stream.indirect_vreg.gather [hbm4b:s5+s2], $0x80, v4, vm1, $0xb8;
	[tilespmem:$0x1E800] =	vst v63  }
0x33b: {  	s12 =	simm.s32 $0xA400  }
0x33c: {  	[tilespmem:s12], [sflag:$0x2] =	stream.indirect_vreg.gather [hbm4b:s4+s2], $0x80, v3, vm0, $0xb8;
	[tilespmem:$0x1E800] =	vst v63  }
0x33d: {  	s12 =	simm.s32 $0xAC00  }
0x33e: {  	[tilespmem:s12], [sflag:$0x2] =	stream.indirect_vreg.gather [hbm4b:s5+s2], $0x80, v3, vm1, $0xb8;
	[tilespmem:$0x1E800] =	vst v63  }
0x33f: {  	v3 =	vld [tilespmem:$0x5B0];
	_ =	sdelay $0x4  }
0x340: {  	v47 =	vshrl.u32 v3, $0x3  }
0x341: {  	v4 =	vmul.u32 $0x18, v47  }
0x342: {  	v3 =	vand.u32 $0x7, v3  }
0x343: {  	v3 =	vor.u32 v3, v4  }
0x344: {  	v4 =	vperm.xlane v3, v0;
	_ =	sdelay $0x1  }
0x345: {  	v4 =	vadd.s32 v1, v4;
	_ =	sdelay $0x1  }
0x346: {  	v3 =	vperm.xlane v3, v2;
	_ =	sdelay $0x1  }
0x347: {  	s12 =	simm.s32 $0xB000;
	v3 =	vadd.s32 v1, v3  }
0x348: {  	[tilespmem:s12], [sflag:$0x2] =	stream.indirect_vreg.gather [hbm4b:s4+s2], $0x80, v4, vm0, $0xb8;
	[tilespmem:$0x1E800] =	vst v63  }
0x349: {  	s12 =	simm.s32 $0xB800  }
0x34a: {  	[tilespmem:s12], [sflag:$0x2] =	stream.indirect_vreg.gather [hbm4b:s5+s2], $0x80, v4, vm1, $0xb8;
	[tilespmem:$0x1E800] =	vst v63  }
0x34b: {  	s12 =	simm.s32 $0xBC00  }
0x34c: {  	[tilespmem:s12], [sflag:$0x2] =	stream.indirect_vreg.gather [hbm4b:s4+s2], $0x80, v3, vm0, $0xb8;
	[tilespmem:$0x1E800] =	vst v63  }
0x34d: {  	s12 =	simm.s32 $0xC400  }
0x34e: {  	[tilespmem:s12], [sflag:$0x2] =	stream.indirect_vreg.gather [hbm4b:s5+s2], $0x80, v3, vm1, $0xb8;
	[tilespmem:$0x1E800] =	vst v63  }
0x34f: {  	_ =	swait.ge [sflag:s7], $0x6000  }
0x350: {  	[sflag:s7] =	ssyncset.done $0x0  }
0x351: {  	s12 =	rddreg [dreg:$0xa];
	[sflag:s7] =	ssyncadd.s32 $0xFFFFA000  }
0x352: {  	[hbm4b:s12+s2] =	stream.linear.scatter [tilespmem:s8], [sflag:$0x8], $0x6000, $0x38;
	[tilespmem:$0x1E800] =	vst v63  }
0x353: {  	_ =	swait.ge [sflag:s25], $0x6000  }
0x354: {  	[sflag:s25] =	ssyncset.done $0x0  }
0x355: {  	[sflag:s25] =	ssyncadd.s32 $0xFFFFA000  }
0x356: {  	v3 =	vld [tilespmem:$0x600];
	_ =	sdelay $0x4  }
0x357: {  	v48 =	vshrl.u32 v3, $0x3  }
0x358: {  	v4 =	vmul.u32 $0x18, v48  }
0x359: {  	v3 =	vand.u32 $0x7, v3  }
0x35a: {  	v3 =	vor.u32 v3, v4  }
0x35b: {  	v4 =	vperm.xlane v3, v0;
	_ =	sdelay $0x1  }
0x35c: {  	v4 =	vadd.s32 v1, v4;
	_ =	sdelay $0x1  }
0x35d: {  	v3 =	vperm.xlane v3, v2;
	_ =	sdelay $0x1  }
0x35e: {  	v3 =	vadd.s32 v1, v3  }
0x35f: {  	[tilespmem:s8], [sflag:$0x3] =	stream.indirect_vreg.gather [hbm4b:s4+s2], $0x80, v4, vm0, $0xb8;
	[tilespmem:$0x1E800] =	vst v63  }
0x360: {  	s12 =	simm.s32 $0xD000  }
0x361: {  	[tilespmem:s12], [sflag:$0x3] =	stream.indirect_vreg.gather [hbm4b:s5+s2], $0x80, v4, vm1, $0xb8;
	[tilespmem:$0x1E800] =	vst v63  }
0x362: {  	s12 =	simm.s32 $0xD400  }
0x363: {  	[tilespmem:s12], [sflag:$0x3] =	stream.indirect_vreg.gather [hbm4b:s4+s2], $0x80, v3, vm0, $0xb8;
	[tilespmem:$0x1E800] =	vst v63  }
0x364: {  	s12 =	simm.s32 $0xDC00  }
0x365: {  	[tilespmem:s12], [sflag:$0x3] =	stream.indirect_vreg.gather [hbm4b:s5+s2], $0x80, v3, vm1, $0xb8;
	[tilespmem:$0x1E800] =	vst v63  }
0x366: {  	v3 =	vld [tilespmem:$0x610];
	_ =	sdelay $0x4  }
0x367: {  	v49 =	vshrl.u32 v3, $0x3  }
0x368: {  	v4 =	vmul.u32 $0x18, v49  }
0x369: {  	v3 =	vand.u32 $0x7, v3  }
0x36a: {  	v3 =	vor.u32 v3, v4  }
0x36b: {  	v4 =	vperm.xlane v3, v0;
	_ =	sdelay $0x1  }
0x36c: {  	v4 =	vadd.s32 v1, v4;
	_ =	sdelay $0x1  }
0x36d: {  	v3 =	vperm.xlane v3, v2;
	_ =	sdelay $0x1  }
0x36e: {  	s12 =	simm.s32 $0xE000;
	v3 =	vadd.s32 v1, v3  }
0x36f: {  	[tilespmem:s12], [sflag:$0x3] =	stream.indirect_vreg.gather [hbm4b:s4+s2], $0x80, v4, vm0, $0xb8;
	[tilespmem:$0x1E800] =	vst v63  }
0x370: {  	s12 =	simm.s32 $0xE800  }
0x371: {  	[tilespmem:s12], [sflag:$0x3] =	stream.indirect_vreg.gather [hbm4b:s5+s2], $0x80, v4, vm1, $0xb8;
	[tilespmem:$0x1E800] =	vst v63  }
0x372: {  	s12 =	simm.s32 $0xEC00  }
0x373: {  	[tilespmem:s12], [sflag:$0x3] =	stream.indirect_vreg.gather [hbm4b:s4+s2], $0x80, v3, vm0, $0xb8;
	[tilespmem:$0x1E800] =	vst v63  }
0x374: {  	s12 =	simm.s32 $0xF400  }
0x375: {  	[tilespmem:s12], [sflag:$0x3] =	stream.indirect_vreg.gather [hbm4b:s5+s2], $0x80, v3, vm1, $0xb8;
	[tilespmem:$0x1E800] =	vst v63  }
0x376: {  	v3 =	vld [tilespmem:$0x620];
	_ =	sdelay $0x4  }
0x377: {  	v50 =	vshrl.u32 v3, $0x3  }
0x378: {  	v4 =	vmul.u32 $0x18, v50  }
0x379: {  	v3 =	vand.u32 $0x7, v3  }
0x37a: {  	v3 =	vor.u32 v3, v4  }
0x37b: {  	v4 =	vperm.xlane v3, v0;
	_ =	sdelay $0x1  }
0x37c: {  	v4 =	vadd.s32 v1, v4;
	_ =	sdelay $0x1  }
0x37d: {  	v3 =	vperm.xlane v3, v2;
	_ =	sdelay $0x1  }
0x37e: {  	s12 =	simm.s32 $0xF800;
	v3 =	vadd.s32 v1, v3  }
0x37f: {  	[tilespmem:s12], [sflag:$0x3] =	stream.indirect_vreg.gather [hbm4b:s4+s2], $0x80, v4, vm0, $0xb8;
	[tilespmem:$0x1E800] =	vst v63  }
0x380: {  	s12 =	simm.s32 $0x10000  }
0x381: {  	[tilespmem:s12], [sflag:$0x3] =	stream.indirect_vreg.gather [hbm4b:s5+s2], $0x80, v4, vm1, $0xb8;
	[tilespmem:$0x1E800] =	vst v63  }
0x382: {  	s12 =	simm.s32 $0x10400  }
0x383: {  	[tilespmem:s12], [sflag:$0x3] =	stream.indirect_vreg.gather [hbm4b:s4+s2], $0x80, v3, vm0, $0xb8;
	[tilespmem:$0x1E800] =	vst v63  }
0x384: {  	s12 =	simm.s32 $0x10C00  }
0x385: {  	[tilespmem:s12], [sflag:$0x3] =	stream.indirect_vreg.gather [hbm4b:s5+s2], $0x80, v3, vm1, $0xb8;
	[tilespmem:$0x1E800] =	vst v63  }
0x386: {  	v3 =	vld [tilespmem:$0x630];
	_ =	sdelay $0x4  }
0x387: {  	v51 =	vshrl.u32 v3, $0x3  }
0x388: {  	v4 =	vmul.u32 $0x18, v51  }
0x389: {  	v3 =	vand.u32 $0x7, v3  }
0x38a: {  	v3 =	vor.u32 v3, v4  }
0x38b: {  	v4 =	vperm.xlane v3, v0;
	_ =	sdelay $0x1  }
0x38c: {  	v4 =	vadd.s32 v1, v4;
	_ =	sdelay $0x1  }
0x38d: {  	v3 =	vperm.xlane v3, v2;
	_ =	sdelay $0x1  }
0x38e: {  	s12 =	simm.s32 $0x11000;
	v3 =	vadd.s32 v1, v3  }
0x38f: {  	[tilespmem:s12], [sflag:$0x3] =	stream.indirect_vreg.gather [hbm4b:s4+s2], $0x80, v4, vm0, $0xb8;
	[tilespmem:$0x1E800] =	vst v63  }
0x390: {  	s12 =	simm.s32 $0x11800  }
0x391: {  	[tilespmem:s12], [sflag:$0x3] =	stream.indirect_vreg.gather [hbm4b:s5+s2], $0x80, v4, vm1, $0xb8;
	[tilespmem:$0x1E800] =	vst v63  }
0x392: {  	s12 =	simm.s32 $0x11C00  }
0x393: {  	[tilespmem:s12], [sflag:$0x3] =	stream.indirect_vreg.gather [hbm4b:s4+s2], $0x80, v3, vm0, $0xb8;
	[tilespmem:$0x1E800] =	vst v63  }
0x394: {  	s12 =	simm.s32 $0x12400  }
0x395: {  	[tilespmem:s12], [sflag:$0x3] =	stream.indirect_vreg.gather [hbm4b:s5+s2], $0x80, v3, vm1, $0xb8;
	[tilespmem:$0x1E800] =	vst v63  }
0x396: {  	_ =	swait.ge [sflag:s29], $0x6000  }
0x397: {  	[sflag:s29] =	ssyncset.done $0x0  }
0x398: {  	s12 =	rddreg [dreg:$0xb];
	[sflag:s29] =	ssyncadd.s32 $0xFFFFA000  }
0x399: {  	[hbm4b:s12+s2] =	stream.linear.scatter [tilespmem:s13], [sflag:$0x9], $0x6000, $0x38;
	[tilespmem:$0x1E800] =	vst v63  }
0x39a: {  	_ =	swait.ge [sflag:s9], $0x6000  }
0x39b: {  	[sflag:s9] =	ssyncset.done $0x0  }
0x39c: {  	[sflag:s9] =	ssyncadd.s32 $0xFFFFA000  }
0x39d: {  	v3 =	vld [tilespmem:$0x680];
	_ =	sdelay $0x4  }
0x39e: {  	v52 =	vshrl.u32 v3, $0x3  }
0x39f: {  	v4 =	vmul.u32 $0x18, v52  }
0x3a0: {  	v3 =	vand.u32 $0x7, v3  }
0x3a1: {  	v3 =	vor.u32 v3, v4  }
0x3a2: {  	v4 =	vperm.xlane v3, v0;
	_ =	sdelay $0x1  }
0x3a3: {  	v4 =	vadd.s32 v1, v4;
	_ =	sdelay $0x1  }
0x3a4: {  	v3 =	vperm.xlane v3, v2;
	_ =	sdelay $0x1  }
0x3a5: {  	v3 =	vadd.s32 v1, v3  }
0x3a6: {  	[tilespmem:s13], [sflag:$0x4] =	stream.indirect_vreg.gather [hbm4b:s4+s2], $0x80, v4, vm0, $0xb8;
	[tilespmem:$0x1E800] =	vst v63  }
0x3a7: {  	s12 =	simm.s32 $0x13000  }
0x3a8: {  	[tilespmem:s12], [sflag:$0x4] =	stream.indirect_vreg.gather [hbm4b:s5+s2], $0x80, v4, vm1, $0xb8;
	[tilespmem:$0x1E800] =	vst v63  }
0x3a9: {  	s12 =	simm.s32 $0x13400  }
0x3aa: {  	[tilespmem:s12], [sflag:$0x4] =	stream.indirect_vreg.gather [hbm4b:s4+s2], $0x80, v3, vm0, $0xb8;
	[tilespmem:$0x1E800] =	vst v63  }
0x3ab: {  	s12 =	simm.s32 $0x13C00  }
0x3ac: {  	[tilespmem:s12], [sflag:$0x4] =	stream.indirect_vreg.gather [hbm4b:s5+s2], $0x80, v3, vm1, $0xb8;
	[tilespmem:$0x1E800] =	vst v63  }
0x3ad: {  	v3 =	vld [tilespmem:$0x690];
	_ =	sdelay $0x4  }
0x3ae: {  	v53 =	vshrl.u32 v3, $0x3  }
0x3af: {  	v4 =	vmul.u32 $0x18, v53  }
0x3b0: {  	v3 =	vand.u32 $0x7, v3  }
0x3b1: {  	v3 =	vor.u32 v3, v4  }
0x3b2: {  	v4 =	vperm.xlane v3, v0;
	_ =	sdelay $0x1  }
0x3b3: {  	v4 =	vadd.s32 v1, v4;
	_ =	sdelay $0x1  }
0x3b4: {  	v3 =	vperm.xlane v3, v2;
	_ =	sdelay $0x1  }
0x3b5: {  	s12 =	simm.s32 $0x14000;
	v3 =	vadd.s32 v1, v3  }
0x3b6: {  	[tilespmem:s12], [sflag:$0x4] =	stream.indirect_vreg.gather [hbm4b:s4+s2], $0x80, v4, vm0, $0xb8;
	[tilespmem:$0x1E800] =	vst v63  }
0x3b7: {  	s12 =	simm.s32 $0x14800  }
0x3b8: {  	[tilespmem:s12], [sflag:$0x4] =	stream.indirect_vreg.gather [hbm4b:s5+s2], $0x80, v4, vm1, $0xb8;
	[tilespmem:$0x1E800] =	vst v63  }
0x3b9: {  	s12 =	simm.s32 $0x14C00  }
0x3ba: {  	[tilespmem:s12], [sflag:$0x4] =	stream.indirect_vreg.gather [hbm4b:s4+s2], $0x80, v3, vm0, $0xb8;
	[tilespmem:$0x1E800] =	vst v63  }
0x3bb: {  	s12 =	simm.s32 $0x15400  }
0x3bc: {  	[tilespmem:s12], [sflag:$0x4] =	stream.indirect_vreg.gather [hbm4b:s5+s2], $0x80, v3, vm1, $0xb8;
	[tilespmem:$0x1E800] =	vst v63  }
0x3bd: {  	v3 =	vld [tilespmem:$0x6A0];
	_ =	sdelay $0x4  }
0x3be: {  	v54 =	vshrl.u32 v3, $0x3  }
0x3bf: {  	v4 =	vmul.u32 $0x18, v54  }
0x3c0: {  	v3 =	vand.u32 $0x7, v3  }
0x3c1: {  	v3 =	vor.u32 v3, v4  }
0x3c2: {  	v4 =	vperm.xlane v3, v0;
	_ =	sdelay $0x1  }
0x3c3: {  	v4 =	vadd.s32 v1, v4;
	_ =	sdelay $0x1  }
0x3c4: {  	v3 =	vperm.xlane v3, v2;
	_ =	sdelay $0x1  }
0x3c5: {  	s12 =	simm.s32 $0x15800;
	v3 =	vadd.s32 v1, v3  }
0x3c6: {  	[tilespmem:s12], [sflag:$0x4] =	stream.indirect_vreg.gather [hbm4b:s4+s2], $0x80, v4, vm0, $0xb8;
	[tilespmem:$0x1E800] =	vst v63  }
0x3c7: {  	s12 =	simm.s32 $0x16000  }
0x3c8: {  	[tilespmem:s12], [sflag:$0x4] =	stream.indirect_vreg.gather [hbm4b:s5+s2], $0x80, v4, vm1, $0xb8;
	[tilespmem:$0x1E800] =	vst v63  }
0x3c9: {  	s12 =	simm.s32 $0x16400  }
0x3ca: {  	[tilespmem:s12], [sflag:$0x4] =	stream.indirect_vreg.gather [hbm4b:s4+s2], $0x80, v3, vm0, $0xb8;
	[tilespmem:$0x1E800] =	vst v63  }
0x3cb: {  	s12 =	simm.s32 $0x16C00  }
0x3cc: {  	[tilespmem:s12], [sflag:$0x4] =	stream.indirect_vreg.gather [hbm4b:s5+s2], $0x80, v3, vm1, $0xb8;
	[tilespmem:$0x1E800] =	vst v63  }
0x3cd: {  	v3 =	vld [tilespmem:$0x6B0];
	_ =	sdelay $0x4  }
0x3ce: {  	v55 =	vshrl.u32 v3, $0x3  }
0x3cf: {  	v4 =	vmul.u32 $0x18, v55  }
0x3d0: {  	v3 =	vand.u32 $0x7, v3  }
0x3d1: {  	v3 =	vor.u32 v3, v4  }
0x3d2: {  	v4 =	vperm.xlane v3, v0;
	_ =	sdelay $0x1  }
0x3d3: {  	v4 =	vadd.s32 v1, v4;
	_ =	sdelay $0x1  }
0x3d4: {  	v3 =	vperm.xlane v3, v2;
	_ =	sdelay $0x1  }
0x3d5: {  	s12 =	simm.s32 $0x17000;
	v3 =	vadd.s32 v1, v3  }
0x3d6: {  	[tilespmem:s12], [sflag:$0x4] =	stream.indirect_vreg.gather [hbm4b:s4+s2], $0x80, v4, vm0, $0xb8;
	[tilespmem:$0x1E800] =	vst v63  }
0x3d7: {  	s12 =	simm.s32 $0x17800  }
0x3d8: {  	[tilespmem:s12], [sflag:$0x4] =	stream.indirect_vreg.gather [hbm4b:s5+s2], $0x80, v4, vm1, $0xb8;
	[tilespmem:$0x1E800] =	vst v63  }
0x3d9: {  	s12 =	simm.s32 $0x17C00  }
0x3da: {  	[tilespmem:s12], [sflag:$0x4] =	stream.indirect_vreg.gather [hbm4b:s4+s2], $0x80, v3, vm0, $0xb8;
	[tilespmem:$0x1E800] =	vst v63  }
0x3db: {  	s12 =	simm.s32 $0x18400  }
0x3dc: {  	[tilespmem:s12], [sflag:$0x4] =	stream.indirect_vreg.gather [hbm4b:s5+s2], $0x80, v3, vm1, $0xb8;
	[tilespmem:$0x1E800] =	vst v63  }
0x3dd: {  	_ =	swait.ge [sflag:s10], $0x6000  }
0x3de: {  	[sflag:s10] =	ssyncset.done $0x0  }
0x3df: {  	s12 =	rddreg [dreg:$0xc];
	[sflag:s10] =	ssyncadd.s32 $0xFFFFA000  }
0x3e0: {  	[hbm4b:s12+s2] =	stream.linear.scatter [tilespmem:s14], [sflag:$0xA], $0x6000, $0x38;
	[tilespmem:$0x1E800] =	vst v63  }
0x3e1: {  	_ =	swait.ge [sflag:s11], $0x6000  }
0x3e2: {  	[sflag:s11] =	ssyncset.done $0x0  }
0x3e3: {  	[sflag:s11] =	ssyncadd.s32 $0xFFFFA000  }
0x3e4: {  	v3 =	vld [tilespmem:$0x700];
	_ =	sdelay $0x4  }
0x3e5: {  	v56 =	vshrl.u32 v3, $0x3  }
0x3e6: {  	v4 =	vmul.u32 $0x18, v56  }
0x3e7: {  	v3 =	vand.u32 $0x7, v3  }
0x3e8: {  	v3 =	vor.u32 v3, v4  }
0x3e9: {  	v4 =	vperm.xlane v3, v0;
	_ =	sdelay $0x1  }
0x3ea: {  	v4 =	vadd.s32 v1, v4;
	_ =	sdelay $0x1  }
0x3eb: {  	v3 =	vperm.xlane v3, v2;
	_ =	sdelay $0x1  }
0x3ec: {  	v3 =	vadd.s32 v1, v3  }
0x3ed: {  	[tilespmem:s14], [sflag:$0x5] =	stream.indirect_vreg.gather [hbm4b:s4+s2], $0x80, v4, vm0, $0xb8;
	[tilespmem:$0x1E800] =	vst v63  }
0x3ee: {  	s12 =	simm.s32 $0x19000  }
0x3ef: {  	[tilespmem:s12], [sflag:$0x5] =	stream.indirect_vreg.gather [hbm4b:s5+s2], $0x80, v4, vm1, $0xb8;
	[tilespmem:$0x1E800] =	vst v63  }
0x3f0: {  	s12 =	simm.s32 $0x19400  }
0x3f1: {  	[tilespmem:s12], [sflag:$0x5] =	stream.indirect_vreg.gather [hbm4b:s4+s2], $0x80, v3, vm0, $0xb8;
	[tilespmem:$0x1E800] =	vst v63  }
0x3f2: {  	s12 =	simm.s32 $0x19C00  }
0x3f3: {  	[tilespmem:s12], [sflag:$0x5] =	stream.indirect_vreg.gather [hbm4b:s5+s2], $0x80, v3, vm1, $0xb8;
	[tilespmem:$0x1E800] =	vst v63  }
0x3f4: {  	v3 =	vld [tilespmem:$0x710];
	_ =	sdelay $0x4  }
0x3f5: {  	v57 =	vshrl.u32 v3, $0x3  }
0x3f6: {  	v4 =	vmul.u32 $0x18, v57  }
0x3f7: {  	v3 =	vand.u32 $0x7, v3  }
0x3f8: {  	v3 =	vor.u32 v3, v4  }
0x3f9: {  	v4 =	vperm.xlane v3, v0;
	_ =	sdelay $0x1  }
0x3fa: {  	v4 =	vadd.s32 v1, v4;
	_ =	sdelay $0x1  }
0x3fb: {  	v3 =	vperm.xlane v3, v2;
	_ =	sdelay $0x1  }
0x3fc: {  	s12 =	simm.s32 $0x1A000;
	v3 =	vadd.s32 v1, v3  }
0x3fd: {  	[tilespmem:s12], [sflag:$0x5] =	stream.indirect_vreg.gather [hbm4b:s4+s2], $0x80, v4, vm0, $0xb8;
	[tilespmem:$0x1E800] =	vst v63  }
0x3fe: {  	s12 =	simm.s32 $0x1A800  }
0x3ff: {  	[tilespmem:s12], [sflag:$0x5] =	stream.indirect_vreg.gather [hbm4b:s5+s2], $0x80, v4, vm1, $0xb8;
	[tilespmem:$0x1E800] =	vst v63  }
0x400: {  	s12 =	simm.s32 $0x1AC00  }
0x401: {  	[tilespmem:s12], [sflag:$0x5] =	stream.indirect_vreg.gather [hbm4b:s4+s2], $0x80, v3, vm0, $0xb8;
	[tilespmem:$0x1E800] =	vst v63  }
0x402: {  	s12 =	simm.s32 $0x1B400  }
0x403: {  	[tilespmem:s12], [sflag:$0x5] =	stream.indirect_vreg.gather [hbm4b:s5+s2], $0x80, v3, vm1, $0xb8;
	[tilespmem:$0x1E800] =	vst v63  }
0x404: {  	v3 =	vld [tilespmem:$0x720];
	_ =	sdelay $0x4  }
0x405: {  	v58 =	vshrl.u32 v3, $0x3  }
0x406: {  	v4 =	vmul.u32 $0x18, v58  }
0x407: {  	v3 =	vand.u32 $0x7, v3  }
0x408: {  	v3 =	vor.u32 v3, v4  }
0x409: {  	v4 =	vperm.xlane v3, v0;
	_ =	sdelay $0x1  }
0x40a: {  	v4 =	vadd.s32 v1, v4;
	_ =	sdelay $0x1  }
0x40b: {  	v3 =	vperm.xlane v3, v2;
	_ =	sdelay $0x1  }
0x40c: {  	s12 =	simm.s32 $0x1B800;
	v3 =	vadd.s32 v1, v3  }
0x40d: {  	[tilespmem:s12], [sflag:$0x5] =	stream.indirect_vreg.gather [hbm4b:s4+s2], $0x80, v4, vm0, $0xb8;
	[tilespmem:$0x1E800] =	vst v63  }
0x40e: {  	s12 =	simm.s32 $0x1C000  }
0x40f: {  	[tilespmem:s12], [sflag:$0x5] =	stream.indirect_vreg.gather [hbm4b:s5+s2], $0x80, v4, vm1, $0xb8;
	[tilespmem:$0x1E800] =	vst v63  }
0x410: {  	s12 =	simm.s32 $0x1C400  }
0x411: {  	[tilespmem:s12], [sflag:$0x5] =	stream.indirect_vreg.gather [hbm4b:s4+s2], $0x80, v3, vm0, $0xb8;
	[tilespmem:$0x1E800] =	vst v63  }
0x412: {  	s12 =	simm.s32 $0x1CC00  }
0x413: {  	[tilespmem:s12], [sflag:$0x5] =	stream.indirect_vreg.gather [hbm4b:s5+s2], $0x80, v3, vm1, $0xb8;
	[tilespmem:$0x1E800] =	vst v63  }
0x414: {  	v3 =	vld [tilespmem:$0x730];
	_ =	sdelay $0x4  }
0x415: {  	v59 =	vshrl.u32 v3, $0x3  }
0x416: {  	v4 =	vmul.u32 $0x18, v59  }
0x417: {  	v3 =	vand.u32 $0x7, v3  }
0x418: {  	v3 =	vor.u32 v3, v4  }
0x419: {  	v4 =	vperm.xlane v3, v0;
	_ =	sdelay $0x1  }
0x41a: {  	v4 =	vadd.s32 v1, v4;
	_ =	sdelay $0x1  }
0x41b: {  	v3 =	vperm.xlane v3, v2;
	_ =	sdelay $0x1  }
0x41c: {  	s12 =	simm.s32 $0x1D000;
	v3 =	vadd.s32 v1, v3  }
0x41d: {  	[tilespmem:s12], [sflag:$0x5] =	stream.indirect_vreg.gather [hbm4b:s4+s2], $0x80, v4, vm0, $0xb8;
	[tilespmem:$0x1E800] =	vst v63  }
0x41e: {  	s12 =	simm.s32 $0x1D800  }
0x41f: {  	[tilespmem:s12], [sflag:$0x5] =	stream.indirect_vreg.gather [hbm4b:s5+s2], $0x80, v4, vm1, $0xb8;
	[tilespmem:$0x1E800] =	vst v63  }
0x420: {  	s12 =	simm.s32 $0x1DC00  }
0x421: {  	[tilespmem:s12], [sflag:$0x5] =	stream.indirect_vreg.gather [hbm4b:s4+s2], $0x80, v3, vm0, $0xb8;
	[tilespmem:$0x1E800] =	vst v63  }
0x422: {  	s12 =	simm.s32 $0x1E400  }
0x423: {  	[tilespmem:s12], [sflag:$0x5] =	stream.indirect_vreg.gather [hbm4b:s5+s2], $0x80, v3, vm1, $0xb8;
	[tilespmem:$0x1E800] =	vst v63  }
0x424: {  	_ =	swait.ge [sflag:s30], $0x6000  }
0x425: {  	[sflag:s30] =	ssyncset.done $0x0  }
0x426: {  	s12 =	rddreg [dreg:$0xd];
	[sflag:s30] =	ssyncadd.s32 $0xFFFFA000  }
0x427: {  	[hbm4b:s12+s2] =	stream.linear.scatter [tilespmem:s28], [sflag:$0x6], $0x6000, $0x38;
	[tilespmem:$0x1E800] =	vst v63  }
0x428: {  	_ =	swait.ge [sflag:s1], $0x6000  }
0x429: {  	[sflag:s1] =	ssyncset.done $0x0  }
0x42a: {  	[sflag:s1] =	ssyncadd.s32 $0xFFFFA000  }
0x42b: {  	v3 =	vld [tilespmem:$0x780];
	_ =	sdelay $0x4  }
0x42c: {  	v60 =	vshrl.u32 v3, $0x3  }
0x42d: {  	v4 =	vmul.u32 $0x18, v60  }
0x42e: {  	v3 =	vand.u32 $0x7, v3  }
0x42f: {  	v3 =	vor.u32 v3, v4  }
0x430: {  	v4 =	vperm.xlane v3, v0;
	_ =	sdelay $0x1  }
0x431: {  	v4 =	vadd.s32 v1, v4;
	_ =	sdelay $0x1  }
0x432: {  	v3 =	vperm.xlane v3, v2;
	_ =	sdelay $0x1  }
0x433: {  	v3 =	vadd.s32 v1, v3  }
0x434: {  	[tilespmem:s28], [sflag:$0x1] =	stream.indirect_vreg.gather [hbm4b:s4+s2], $0x80, v4, vm0, $0xb8;
	[tilespmem:$0x1E800] =	vst v63  }
0x435: {  	s15 =	simm.s32 $0x1000  }
0x436: {  	[tilespmem:s15], [sflag:$0x1] =	stream.indirect_vreg.gather [hbm4b:s5+s2], $0x80, v4, vm1, $0xb8;
	[tilespmem:$0x1E800] =	vst v63  }
0x437: {  	s16 =	simm.s32 $0x1400  }
0x438: {  	[tilespmem:s16], [sflag:$0x1] =	stream.indirect_vreg.gather [hbm4b:s4+s2], $0x80, v3, vm0, $0xb8;
	[tilespmem:$0x1E800] =	vst v63  }
0x439: {  	s16 =	simm.s32 $0x1C00  }
0x43a: {  	[tilespmem:s16], [sflag:$0x1] =	stream.indirect_vreg.gather [hbm4b:s5+s2], $0x80, v3, vm1, $0xb8;
	[tilespmem:$0x1E800] =	vst v63  }
0x43b: {  	v3 =	vld [tilespmem:$0x790];
	_ =	sdelay $0x4  }
0x43c: {  	v61 =	vshrl.u32 v3, $0x3  }
0x43d: {  	v4 =	vmul.u32 $0x18, v61  }
0x43e: {  	v3 =	vand.u32 $0x7, v3  }
0x43f: {  	v3 =	vor.u32 v3, v4  }
0x440: {  	v4 =	vperm.xlane v3, v0;
	_ =	sdelay $0x1  }
0x441: {  	v4 =	vadd.s32 v1, v4;
	_ =	sdelay $0x1  }
0x442: {  	v3 =	vperm.xlane v3, v2;
	_ =	sdelay $0x1  }
0x443: {  	s17 =	simm.s32 $0x2000;
	v3 =	vadd.s32 v1, v3  }
0x444: {  	[tilespmem:s17], [sflag:$0x1] =	stream.indirect_vreg.gather [hbm4b:s4+s2], $0x80, v4, vm0, $0xb8;
	[tilespmem:$0x1E800] =	vst v63  }
0x445: {  	s18 =	simm.s32 $0x2800  }
0x446: {  	[tilespmem:s18], [sflag:$0x1] =	stream.indirect_vreg.gather [hbm4b:s5+s2], $0x80, v4, vm1, $0xb8;
	[tilespmem:$0x1E800] =	vst v63  }
0x447: {  	s19 =	simm.s32 $0x2C00  }
0x448: {  	[tilespmem:s19], [sflag:$0x1] =	stream.indirect_vreg.gather [hbm4b:s4+s2], $0x80, v3, vm0, $0xb8;
	[tilespmem:$0x1E800] =	vst v63  }
0x449: {  	s18 =	simm.s32 $0x3400  }
0x44a: {  	[tilespmem:s18], [sflag:$0x1] =	stream.indirect_vreg.gather [hbm4b:s5+s2], $0x80, v3, vm1, $0xb8;
	[tilespmem:$0x1E800] =	vst v63  }
0x44b: {  	v3 =	vld [tilespmem:$0x7A0];
	_ =	sdelay $0x4  }
0x44c: {  	v62 =	vshrl.u32 v3, $0x3  }
0x44d: {  	v4 =	vmul.u32 $0x18, v62  }
0x44e: {  	v3 =	vand.u32 $0x7, v3  }
0x44f: {  	v3 =	vor.u32 v3, v4  }
0x450: {  	v4 =	vperm.xlane v3, v0;
	_ =	sdelay $0x1  }
0x451: {  	v4 =	vadd.s32 v1, v4;
	_ =	sdelay $0x1  }
0x452: {  	v3 =	vperm.xlane v3, v2;
	_ =	sdelay $0x1  }
0x453: {  	s20 =	simm.s32 $0x3800;
	v3 =	vadd.s32 v1, v3  }
0x454: {  	[tilespmem:s20], [sflag:$0x1] =	stream.indirect_vreg.gather [hbm4b:s4+s2], $0x80, v4, vm0, $0xb8;
	[tilespmem:$0x1E800] =	vst v63  }
0x455: {  	s21 =	simm.s32 $0x4000  }
0x456: {  	[tilespmem:s21], [sflag:$0x1] =	stream.indirect_vreg.gather [hbm4b:s5+s2], $0x80, v4, vm1, $0xb8;
	[tilespmem:$0x1E800] =	vst v63  }
0x457: {  	s22 =	simm.s32 $0x4400  }
0x458: {  	[tilespmem:s22], [sflag:$0x1] =	stream.indirect_vreg.gather [hbm4b:s4+s2], $0x80, v3, vm0, $0xb8;
	[tilespmem:$0x1E800] =	vst v63  }
0x459: {  	s19 =	simm.s32 $0x4C00  }
0x45a: {  	[tilespmem:s19], [sflag:$0x1] =	stream.indirect_vreg.gather [hbm4b:s5+s2], $0x80, v3, vm1, $0xb8;
	[tilespmem:$0x1E800] =	vst v63  }
0x45b: {  	v3 =	vld [tilespmem:$0x7B0];
	_ =	sdelay $0x4  }
0x45c: {  	v63 =	vshrl.u32 v3, $0x3  }
0x45d: {  	v4 =	vmul.u32 $0x18, v63  }
0x45e: {  	v3 =	vand.u32 $0x7, v3  }
0x45f: {  	v3 =	vor.u32 v3, v4  }
0x460: {  	v4 =	vperm.xlane v3, v0;
	_ =	sdelay $0x1  }
0x461: {  	v4 =	vadd.s32 v1, v4;
	_ =	sdelay $0x1  }
0x462: {  	v3 =	vperm.xlane v3, v2;
	_ =	sdelay $0x1  }
0x463: {  	s23 =	simm.s32 $0x5000;
	v3 =	vadd.s32 v1, v3  }
0x464: {  	[tilespmem:s23], [sflag:$0x1] =	stream.indirect_vreg.gather [hbm4b:s4+s2], $0x80, v4, vm0, $0xb8;
	[tilespmem:$0x1E800] =	vst v63  }
0x465: {  	s24 =	simm.s32 $0x5800  }
0x466: {  	[tilespmem:s24], [sflag:$0x1] =	stream.indirect_vreg.gather [hbm4b:s5+s2], $0x80, v4, vm1, $0xb8;
	[tilespmem:$0x1E800] =	vst v63  }
0x467: {  	s26 =	simm.s32 $0x5C00  }
0x468: {  	[tilespmem:s26], [sflag:$0x1] =	stream.indirect_vreg.gather [hbm4b:s4+s2], $0x80, v3, vm0, $0xb8;
	[tilespmem:$0x1E800] =	vst v63  }
0x469: {  	s20 =	simm.s32 $0x6400  }
0x46a: {  	[tilespmem:s20], [sflag:$0x1] =	stream.indirect_vreg.gather [hbm4b:s5+s2], $0x80, v3, vm1, $0xb8;
	[tilespmem:$0x1E800] =	vst v63  }
0x46b: {  	_ =	swait.ge [sflag:s0], $0x6000  }
0x46c: {  	[sflag:s0] =	ssyncset.done $0x0  }
0x46d: {  	s21 =	rddreg [dreg:$0xe];
	[sflag:s0] =	ssyncadd.s32 $0xFFFFA000  }
0x46e: {  	[hbm4b:s21+s2] =	stream.linear.scatter [tilespmem:s31], [sflag:$0x7], $0x6000, $0x38;
	[tilespmem:$0x1E800] =	vst v63  }
0x46f: {  	_ =	swait.ge [sflag:s7], $0x6000  }
0x470: {  	[sflag:s7] =	ssyncset.done $0x0  }
0x471: {  	s22 =	rddreg [dreg:$0xf];
	[sflag:s7] =	ssyncadd.s32 $0xFFFFA000  }
0x472: {  	[hbm4b:s22+s2] =	stream.linear.scatter [tilespmem:s8], [sflag:$0x8], $0x6000, $0x38;
	[tilespmem:$0x1E800] =	vst v63  }
0x473: {  	_ =	swait.ge [sflag:s29], $0x6000  }
0x474: {  	[sflag:s29] =	ssyncset.done $0x0  }
0x475: {  	s23 =	rddreg [dreg:$0x10];
	[sflag:s29] =	ssyncadd.s32 $0xFFFFA000  }
0x476: {  	[hbm4b:s23+s2] =	stream.linear.scatter [tilespmem:s13], [sflag:$0x9], $0x6000, $0x38;
	[tilespmem:$0x1E800] =	vst v63  }
0x477: {  	_ =	swait.ge [sflag:s10], $0x6000  }
0x478: {  	[sflag:s10] =	ssyncset.done $0x0  }
0x479: {  	s24 =	rddreg [dreg:$0x11];
	[sflag:s10] =	ssyncadd.s32 $0xFFFFA000  }
0x47a: {  	[hbm4b:s24+s2] =	stream.linear.scatter [tilespmem:s14], [sflag:$0xA], $0x6000, $0x38;
	[tilespmem:$0x1E800] =	vst v63  }
0x47b: {  	_ =	swait.ge [sflag:s30], $0x6000  }
0x47c: {  	[sflag:s30] =	ssyncset.done $0x0  }
0x47d: {  	s26 =	rddreg [dreg:$0x12];
	[sflag:s30] =	ssyncadd.s32 $0xFFFFA000  }
0x47e: {  	[hbm4b:s26+s2] =	stream.linear.scatter [tilespmem:s28], [sflag:$0x6], $0x6000, $0x38;
	[tilespmem:$0x1E800] =	vst v63  }
0x47f: {  	_ =	swait.ge [sflag:s1], $0x6000  }
0x480: {  	[sflag:s1] =	ssyncset.done $0x0  }
0x481: {  	[sflag:s1] =	ssyncadd.s32 $0xFFFFA000  }
0x482: {  	_ =	swait.ge [sflag:s3], $0x6000  }
0x483: {  	[sflag:s3] =	ssyncset.done $0x0  }
0x484: {  	[sflag:s3] =	ssyncadd.s32 $0xFFFFA000  }
0x485: {  	_ =	swait.ge [sflag:s25], $0x6000  }
0x486: {  	[sflag:s25] =	ssyncset.done $0x0  }
0x487: {  	[sflag:s25] =	ssyncadd.s32 $0xFFFFA000  }
0x488: {  	p0 =	sne.s32 s6, $0x1;
	_ =	swait.ge [sflag:s9], $0x6000  }
.Ltmp0:
0x489: {  	[sflag:s9] =	ssyncset.done $0x0;
	(pc) =	sbr.rel @p0 .LBB2_1-.Ltmp0, $4  }
0x48a: {  	[sflag:s9] =	ssyncadd.s32 $0xFFFFA000  }
0x48b: {  	_ =	swait.ge [sflag:s11], $0x6000  }
0x48c: {  	[sflag:s11] =	ssyncset.done $0x0  }
0x48d: {  	s6 =	sadd.s32 $0xFFFFFFFF, s6;
	[sflag:s11] =	ssyncadd.s32 $0xFFFFA000  }
0x48e: {  	_ =	sfence.sel $0x180000  }
0x48f: {  	[bflag:$0x0] =	sbarrier.arrive $0xFFFF  }
0x490: {  	_ =	strace $0x90000047  }
0x491: {  	s0 =	stileid.u32;
	[bflag:$0x2] =	sbarrier.arrive $0xFFFF  }
0x492: {  	p0 =	sne.s32 s0, $0x0;
	s0 =	rddreg [dreg:$0x2]  }
0x493: {  	s0 =	sadd.s32 @!p0 $0x100000, s0  }
0x494: {  	[sflag:s0] =	ssyncadd.tile.s32 @!p0 $0x1;
	_ =	shalt  }
.Lfunc_end2:
_tile_overlayer_lowered:
.L_overlay_start_2:
0x495: {  	(tag) =	ssettag $0x2  }
0x496: {  	s0 =	rddreg [dreg:$0x0];
	s2 =	stileid.u32  }
0x497: {  	s1 =	rddreg [dreg:$0x1];
	p0 =	sne.s32 s2, $0x0  }
0x498: {  	s3 =	rddreg [dreg:$0x2];
	[bflag:$0x3] =	sbarrier.arrive $0xFFFF;
	s2 =	simm.s32 @!p0 $0x1C0B  }
0x499: {  	[timem:s3], [sflag:s2] =	dma.local @!p0 [hbm:s0], s1  }
0x49a: {  	s0 =	simm.s32 @!p0 $0xB  }
0x49b: {  	_ =	swait.ge @!p0 [sflag:s0], s1  }
0x49c: {  	s1 =	ssub.s32 @!p0 $0x0, s1;
	[sflag:s0] =	ssyncset.done @!p0 $0x0  }
0x49d: {  	[sflag:s0] =	ssyncadd.s32 @!p0 s1  }
0x49e: {  	[bflag:$0x3] =	sbarrier.arrive $0xFFFF  }
0x49f: {  	_ =	shalt  }

</sc_bundles>
